<compile_context>
chip_gen: v7x
topology: tpu7x:2x2x1
jax: 0.10.2.dev20260603
libtpu: 0.0.44.dev20260713+nightly
codegen_flags: <defaults>
</compile_context>

<pallas_src>
import functools

import jax
import jax.numpy as jnp
from jax import lax
from jax.experimental import pallas as pl
from jax.experimental.pallas import tpu as pltpu
from jax.experimental.pallas import tpu_sc as plsc

N = 10000
NPAD = 10240
IN_DIM = 128
HID = 64
HHALF = HID // 2

NC = 2
NS = 16
NW = NC * NS
CHUNK = 128
ROWS_PER_TILE = NPAD // NS

E = 320000
EPT = E // NS
MC = 160
EFILL = MC * CHUNK - EPT
EPD = E // NW
DC = 79
DFILL = DC * CHUNK - EPD

_MESH = plsc.VectorSubcoreMesh(core_axis_name="c", subcore_axis_name="s")
_SC_PARAMS = pltpu.CompilerParams(use_tc_tiling_on_sc=False)

BM = 1024
BM3 = 1000



def _deg_body(ei_hbm, ones_hbm, zeros_hbm, dfill_hbm, out_hbm, idx_v, src_v,
              ztile_v, acc_sh, sem):
    c = lax.axis_index("c")
    s = lax.axis_index("s")
    w = s * NC + c
    pltpu.sync_copy(ones_hbm, src_v)
    pltpu.sync_copy(zeros_hbm, ztile_v)
    pltpu.sync_copy(ei_hbm.at[1, pl.ds(w * EPD, EPD)], idx_v.at[pl.ds(0, EPD)])
    pltpu.sync_copy(dfill_hbm, idx_v.at[pl.ds(EPD, DFILL)])
    pltpu.sync_copy(ztile_v, acc_sh.at[pl.ds(s * ROWS_PER_TILE, ROWS_PER_TILE)])
    plsc.subcore_barrier()

    def fire(j, carry):
        pltpu.async_copy(src_v, acc_sh.at[idx_v.at[pl.ds(j * CHUNK, CHUNK)]],
                         sem, add=True)
        return carry

    lax.fori_loop(0, DC, fire, 0)

    def drain(j, carry):
        pltpu.make_async_copy(src_v, acc_sh.at[idx_v.at[pl.ds(0, CHUNK)]],
                              sem).wait()
        return carry

    lax.fori_loop(0, DC, drain, 0)
    plsc.subcore_barrier()
    pltpu.sync_copy(acc_sh.at[pl.ds(s * ROWS_PER_TILE, ROWS_PER_TILE)],
                    out_hbm.at[c, pl.ds(s * ROWS_PER_TILE, ROWS_PER_TILE)])


_deg_kernel = functools.partial(
    pl.kernel,
    out_type=jax.ShapeDtypeStruct((NC, NPAD, 16), jnp.float32),
    mesh=_MESH,
    compiler_params=_SC_PARAMS,
    scratch_types=[
        pltpu.VMEM((DC * CHUNK,), jnp.int32),
        pltpu.VMEM((CHUNK, 16), jnp.float32),
        pltpu.VMEM((ROWS_PER_TILE, 16), jnp.float32),
        pltpu.VMEM_SHARED((NPAD, 16), jnp.float32),
        pltpu.SemaphoreType.DMA,
    ],
)(_deg_body)


def _edge_body(q_hbm, ei_hbm, zeros_hbm, rfill_hbm, cfill_hbm,
               out_hbm, ridx_v, cidx_v, bufs, ztile_v, g_sh, acc_sh, sems):
    c = lax.axis_index("c")
    s = lax.axis_index("s")
    pltpu.sync_copy(ei_hbm.at[0, pl.ds(s * EPT, EPT)], ridx_v.at[pl.ds(0, EPT)])
    pltpu.sync_copy(rfill_hbm, ridx_v.at[pl.ds(EPT, EFILL)])
    pltpu.sync_copy(ei_hbm.at[1, pl.ds(s * EPT, EPT)], cidx_v.at[pl.ds(0, EPT)])
    pltpu.sync_copy(cfill_hbm, cidx_v.at[pl.ds(EPT, EFILL)])
    pltpu.sync_copy(zeros_hbm, ztile_v)
    pltpu.sync_copy(ztile_v, acc_sh.at[pl.ds(s * ROWS_PER_TILE, ROWS_PER_TILE)])
    pltpu.sync_copy(q_hbm.at[pl.ds(s * ROWS_PER_TILE, ROWS_PER_TILE),
                             pl.ds(HHALF * c, HHALF)],
                    ztile_v)
    pltpu.sync_copy(ztile_v, g_sh.at[pl.ds(s * ROWS_PER_TILE, ROWS_PER_TILE)])
    plsc.subcore_barrier()

    npair = MC // 2
    buf0, buf1 = bufs
    sem0, sem1 = sems
    pltpu.async_copy(g_sh.at[ridx_v.at[pl.ds(0, CHUNK)]], buf0, sem0)

    def body(i, carry):
        j0 = 2 * i * CHUNK
        pltpu.async_copy(g_sh.at[ridx_v.at[pl.ds(j0 + CHUNK, CHUNK)]], buf1,
                         sem1)
        pltpu.make_async_copy(g_sh.at[ridx_v.at[pl.ds(j0, CHUNK)]], buf0,
                              sem0).wait()
        pltpu.sync_copy(buf0, acc_sh.at[cidx_v.at[pl.ds(j0, CHUNK)]], add=True)

        @pl.when(i < npair - 1)
        def _():
            pltpu.async_copy(g_sh.at[ridx_v.at[pl.ds(j0 + 2 * CHUNK, CHUNK)]],
                             buf0, sem0)

        pltpu.make_async_copy(g_sh.at[ridx_v.at[pl.ds(j0 + CHUNK, CHUNK)]],
                              buf1, sem1).wait()
        pltpu.sync_copy(buf1, acc_sh.at[cidx_v.at[pl.ds(j0 + CHUNK, CHUNK)]],
                        add=True)
        return carry

    lax.fori_loop(0, npair, body, 0)
    plsc.subcore_barrier()
    pltpu.sync_copy(acc_sh.at[pl.ds(s * ROWS_PER_TILE, ROWS_PER_TILE)],
                    out_hbm.at[pl.ds(s * ROWS_PER_TILE, ROWS_PER_TILE),
                               pl.ds(HHALF * c, HHALF)])


_edge_kernel = functools.partial(
    pl.kernel,
    out_type=jax.ShapeDtypeStruct((NPAD, HID), jnp.float32),
    mesh=_MESH,
    compiler_params=_SC_PARAMS,
    scratch_types=[
        pltpu.VMEM((MC * CHUNK,), jnp.int32),
        pltpu.VMEM((MC * CHUNK,), jnp.int32),
        [pltpu.VMEM((CHUNK, HHALF), jnp.float32) for _ in range(2)],
        pltpu.VMEM((ROWS_PER_TILE, HHALF), jnp.float32),
        pltpu.VMEM_SHARED((NPAD, HHALF), jnp.float32),
        pltpu.VMEM_SHARED((NPAD, HHALF), jnp.float32),
        [pltpu.SemaphoreType.DMA for _ in range(2)],
    ],
)(_edge_body)



def _tc1_body(x_ref, w1_ref, degp_ref, q_ref):
    i = pl.program_id(0)
    rowid = lax.broadcasted_iota(jnp.int32, (BM, 1), 0) + i * BM
    deg = (degp_ref[0, :, 0:1] + degp_ref[1, :, 0:1]
           + jnp.where(rowid < N, 1.0, 0.0))
    dinv = jnp.where(deg > 0.0, lax.rsqrt(deg), 0.0)
    h = jnp.dot(x_ref[...], w1_ref[...], preferred_element_type=jnp.float32)
    q_ref[...] = jnp.concatenate(
        [h * dinv, jnp.broadcast_to(dinv, (BM, HID))], axis=1)


def _tc2_body(s_ref, q1_ref, w2_ref, b1_ref, q2_ref):
    g1 = q1_ref[:, :HID]
    dinv = q1_ref[:, HID:]
    a1 = dinv * (s_ref[...] + g1) + b1_ref[...]
    r = jnp.maximum(a1, 0.0)
    h2 = jnp.dot(r, w2_ref[...], preferred_element_type=jnp.float32)
    q2_ref[...] = jnp.concatenate([h2 * dinv, dinv], axis=1)


def _tc3_body(s_ref, q2_ref, wp_ref, b2_ref, bp_ref, z_ref):
    g2 = q2_ref[:, :HID]
    dinv = q2_ref[:, HID:]
    a2 = dinv * (s_ref[...] + g2) + b2_ref[...]
    r = jnp.maximum(a2, 0.0)
    z_ref[...] = (jnp.dot(r, wp_ref[...], preferred_element_type=jnp.float32)
                  + bp_ref[...])


def _row_spec(width, bm=BM):
    return pl.BlockSpec((bm, width), lambda i: (i, 0))


def _pair_spec(width, bm=BM):
    return pl.BlockSpec((2, bm, width), lambda i: (0, i, 0))


def _full_spec(shape):
    return pl.BlockSpec(shape, lambda i: tuple(0 for _ in shape))


_QS = jax.ShapeDtypeStruct((NPAD, 2 * HID), jnp.float32)

_tc1 = pl.pallas_call(
    _tc1_body,
    grid=(NPAD // BM,),
    in_specs=[_row_spec(IN_DIM), _full_spec((IN_DIM, HID)), _pair_spec(16)],
    out_specs=_row_spec(2 * HID),
    out_shape=_QS,
)

_tc2 = pl.pallas_call(
    _tc2_body,
    grid=(NPAD // BM,),
    in_specs=[_row_spec(HID), _row_spec(2 * HID),
              _full_spec((HID, HID)), _full_spec((1, HID))],
    out_specs=_row_spec(2 * HID),
    out_shape=_QS,
)

_tc3 = pl.pallas_call(
    _tc3_body,
    grid=(N // BM3,),
    in_specs=[_row_spec(HID, BM3), _row_spec(2 * HID, BM3),
              _full_spec((HID, HID)), _full_spec((1, HID)),
              _full_spec((1, HID))],
    out_specs=_row_spec(HID, BM3),
    out_shape=jax.ShapeDtypeStruct((N, HID), jnp.float32),
)


def kernel(x, edge_index, W1, b1, W2, b2, Wp, bp):
    ei = edge_index.astype(jnp.int32)

    x_pad = jnp.pad(x, ((0, NPAD - N), (0, 0)))
    ones16 = jnp.ones((CHUNK, 16), jnp.float32)
    zeros16 = jnp.zeros((ROWS_PER_TILE, 16), jnp.float32)
    zeros32 = jnp.zeros((ROWS_PER_TILE, HHALF), jnp.float32)
    rfill = jnp.full((EFILL,), N, jnp.int32)
    cfill = jnp.full((EFILL,), NPAD - 1, jnp.int32)
    dfill = jnp.full((DFILL,), NPAD - 1, jnp.int32)
    b1r = b1.reshape(1, HID)
    b2r = b2.reshape(1, HID)
    bpr = bp.reshape(1, HID)

    degp = _deg_kernel(ei, ones16, zeros16, dfill)

    q1 = _tc1(x_pad, W1, degp)
    s1 = _edge_kernel(q1, ei, zeros32, rfill, cfill)
    q2 = _tc2(s1, q1, W2, b1r)
    s2 = _edge_kernel(q2, ei, zeros32, rfill, cfill)
    z = _tc3(s2, q2, Wp, b2r, bpr)
    return z

# --- scband reference (transcript-rebuilt; emitter-appended) ---
"""Pipeline reference for scband-gnnsimple-lp-38482906972843 (READ-ONLY COPY).

The authoritative reference and input builder live on the scoring server;
editing this copy changes nothing except your own understanding.
"""

import jax, jax.numpy as jnp
import numpy as np

N_NODES = 10000
N_EDGES = 320000
IN_DIM = 128
HIDDEN = 64
OUT_DIM = 64

def setup_inputs(seed: int = 0) -> dict:
    key = jax.random.key(seed)
    ks = jax.random.split(key, 8)
    x = jax.random.normal(ks[0], (N_NODES, IN_DIM), dtype=jnp.float32)
    edge_index = jax.random.randint(ks[1], (2, N_EDGES), 0, N_NODES, dtype=jnp.int64)
    # GCNConv layer 1: in_dim -> hidden
    W1 = jax.random.normal(ks[2], (IN_DIM, HIDDEN), dtype=jnp.float32) * (1.0 / np.sqrt(IN_DIM))
    b1 = jnp.zeros((HIDDEN,), dtype=jnp.float32)
    # GCNConv layer 2: hidden -> hidden
    W2 = jax.random.normal(ks[3], (HIDDEN, HIDDEN), dtype=jnp.float32) * (1.0 / np.sqrt(HIDDEN))
    b2 = jnp.zeros((HIDDEN,), dtype=jnp.float32)
    # projection: hidden -> out
    Wp = jax.random.normal(ks[4], (HIDDEN, OUT_DIM), dtype=jnp.float32) * (1.0 / np.sqrt(HIDDEN))
    bp = jax.random.normal(ks[5], (OUT_DIM,), dtype=jnp.float32) * (1.0 / np.sqrt(HIDDEN))
    return {"x": x, "edge_index": edge_index, "W1": W1, "b1": b1, "W2": W2, "b2": b2, "Wp": Wp, "bp": bp}

def _gcn_conv(x, edge_index, W, b):
    # PyG GCNConv: out = D^{-1/2} (A + I) D^{-1/2} X W + b
    n = x.shape[0]
    h = x @ W
    self_loops = jnp.arange(n, dtype=edge_index.dtype)
    row = jnp.concatenate([edge_index[0], self_loops])  # src
    col = jnp.concatenate([edge_index[1], self_loops])  # dst
    ones = jnp.ones(row.shape[0], dtype=h.dtype)
    deg = jnp.zeros((n,), dtype=h.dtype).at[col].add(ones)
    deg_inv_sqrt = jnp.where(deg > 0, deg ** -0.5, 0.0)
    norm = deg_inv_sqrt[row] * deg_inv_sqrt[col]
    msg = h[row] * norm[:, None]
    out = jnp.zeros((n, h.shape[1]), dtype=h.dtype).at[col].add(msg)
    return out + b

def reference(x, edge_index, W1, b1, W2, b2, Wp, bp):
    # encode(): conv -> relu -> dropout(eval: identity), twice; then proj
    h = _gcn_conv(x, edge_index, W1, b1)
    h = jax.nn.relu(h)
    h = _gcn_conv(h, edge_index, W2, b2)
    h = jax.nn.relu(h)
    z = h @ Wp + bp
    return z

if __name__ == "__main__":
    import jax
    _d = setup_inputs()
    print(jax.jit(kernel)(*tuple(_d.values())))

</pallas_src>

<mosaic_0001>
#map = affine_map<(d0, d1) -> (0, 0)>
#map1 = affine_map<(d0, d1) -> (0)>
module attributes {stable_mosaic.version = 14 : i64} {
  func.func @_edge_body(%arg0: i32, %arg1: i32, %arg2: memref<10240x128xf32, #tpu.memory_space<hbm>>, %arg3: memref<2x320000xi32, #tpu.memory_space<hbm>>, %arg4: memref<640x32xf32, #tpu.memory_space<hbm>>, %arg5: memref<480xi32, #tpu.memory_space<hbm>>, %arg6: memref<480xi32, #tpu.memory_space<hbm>>, %arg7: memref<10240x64xf32, #tpu.memory_space<hbm>>, %arg8: memref<20480xi32, #tpu.memory_space<vmem>>, %arg9: memref<20480xi32, #tpu.memory_space<vmem>>, %arg10: memref<128x32xf32, #tpu.memory_space<vmem>>, %arg11: memref<128x32xf32, #tpu.memory_space<vmem>>, %arg12: memref<640x32xf32, #tpu.memory_space<vmem>>, %arg13: memref<10240x32xf32, #tpu.memory_space<vmem_shared>>, %arg14: memref<10240x32xf32, #tpu.memory_space<vmem_shared>>, %arg15: memref<!tpu.dma_semaphore, #tpu.memory_space<semaphore_mem>>, %arg16: memref<!tpu.dma_semaphore, #tpu.memory_space<semaphore_mem>>) attributes {dimension_semantics = [#tpu.dimension_semantics<core_parallel>, #tpu.dimension_semantics<subcore_parallel>], iteration_bounds = array<i64: 2, 16>, scalar_prefetch = 0 : i64, scratch_operands = 9 : i64, tpu.core_type = #tpu.core_type<sc_vector_subcore>, window_params = [{transform_indices = #map}, {transform_indices = #map}, {transform_indices = #map}, {transform_indices = #map1}, {transform_indices = #map1}, {transform_indices = #map}]} {
    %mul3A = arith.constant 20000 : i32
    %mul3A_0 = arith.muli %arg1, %mul3A : i32
    %run_scoped3A = arith.constant 0 : i32
    "tpu.region"() ({
      %run_scoped3A_28 = tpu.sem_alloc : memref<!tpu.dma_semaphore, #tpu.memory_space<semaphore_mem>>
      %dma_start3A_29 = arith.constant 0 : i32
      %dma_start3A_30 = tpu.memref_slice %arg8[%dma_start3A_29] : memref<20480xi32, #tpu.memory_space<vmem>> -> memref<20000xi32, #tpu.memory_space<vmem>>
      %dma_start3A_31 = tpu.memref_slice %arg3[%run_scoped3A, %mul3A_0] : memref<2x320000xi32, #tpu.memory_space<hbm>> -> memref<1x20000xi32, #tpu.memory_space<hbm>>
      %dma_start3A_32 = tpu.memref_squeeze %dma_start3A_31 : memref<1x20000xi32, #tpu.memory_space<hbm>> -> memref<20000xi32, #tpu.memory_space<hbm>>
      %dma_start3A_33 = arith.constant 0 : i32
      %dma_start3A_34 = tpu.memref_slice %arg8[%dma_start3A_33] : memref<20480xi32, #tpu.memory_space<vmem>> -> memref<20000xi32, #tpu.memory_space<vmem>>
      %dma_start3A_35 = tpu.memref_slice %arg3[%run_scoped3A, %mul3A_0] : memref<2x320000xi32, #tpu.memory_space<hbm>> -> memref<1x20000xi32, #tpu.memory_space<hbm>>
      %dma_start3A_36 = tpu.memref_squeeze %dma_start3A_35 : memref<1x20000xi32, #tpu.memory_space<hbm>> -> memref<20000xi32, #tpu.memory_space<hbm>>
      tpu.enqueue_dma source(%dma_start3A_36 : memref<20000xi32, #tpu.memory_space<hbm>>) target(%dma_start3A_34 : memref<20000xi32, #tpu.memory_space<vmem>>) target_semaphore(%run_scoped3A_28 : memref<!tpu.dma_semaphore, #tpu.memory_space<semaphore_mem>>)
      %dma_wait3A = arith.constant 0 : i32
      %dma_wait3A_37 = tpu.memref_slice %arg8[%dma_wait3A] : memref<20480xi32, #tpu.memory_space<vmem>> -> memref<20000xi32, #tpu.memory_space<vmem>>
      %dma_wait3A_38 = tpu.memref_slice %arg3[%run_scoped3A, %mul3A_0] : memref<2x320000xi32, #tpu.memory_space<hbm>> -> memref<1x20000xi32, #tpu.memory_space<hbm>>
      %dma_wait3A_39 = tpu.memref_squeeze %dma_wait3A_38 : memref<1x20000xi32, #tpu.memory_space<hbm>> -> memref<20000xi32, #tpu.memory_space<hbm>>
      %dma_wait3A_40 = arith.constant 0 : i32
      %dma_wait3A_41 = tpu.memref_slice %arg8[%dma_wait3A_40] : memref<20480xi32, #tpu.memory_space<vmem>> -> memref<20000xi32, #tpu.memory_space<vmem>>
      %dma_wait3A_42 = tpu.memref_slice %arg3[%run_scoped3A, %mul3A_0] : memref<2x320000xi32, #tpu.memory_space<hbm>> -> memref<1x20000xi32, #tpu.memory_space<hbm>>
      %dma_wait3A_43 = tpu.memref_squeeze %dma_wait3A_42 : memref<1x20000xi32, #tpu.memory_space<hbm>> -> memref<20000xi32, #tpu.memory_space<hbm>>
      tpu.wait_dma2 semaphore(%run_scoped3A_28 : memref<!tpu.dma_semaphore, #tpu.memory_space<semaphore_mem>>) src(%dma_wait3A_43 : memref<20000xi32, #tpu.memory_space<hbm>>) dst(%dma_wait3A_41 : memref<20000xi32, #tpu.memory_space<vmem>>)
      tpu.yield
    }) : () -> ()
    "tpu.region"() ({
      %run_scoped3A_28 = tpu.sem_alloc : memref<!tpu.dma_semaphore, #tpu.memory_space<semaphore_mem>>
      %dma_start3A_29 = arith.constant 20000 : i32
      %dma_start3A_30 = tpu.memref_slice %arg8[%dma_start3A_29] : memref<20480xi32, #tpu.memory_space<vmem>> -> memref<480xi32, #tpu.memory_space<vmem>>
      %dma_start3A_31 = arith.constant 20000 : i32
      %dma_start3A_32 = tpu.memref_slice %arg8[%dma_start3A_31] : memref<20480xi32, #tpu.memory_space<vmem>> -> memref<480xi32, #tpu.memory_space<vmem>>
      tpu.enqueue_dma source(%arg5 : memref<480xi32, #tpu.memory_space<hbm>>) target(%dma_start3A_32 : memref<480xi32, #tpu.memory_space<vmem>>) target_semaphore(%run_scoped3A_28 : memref<!tpu.dma_semaphore, #tpu.memory_space<semaphore_mem>>)
      %dma_wait3A = arith.constant 20000 : i32
      %dma_wait3A_33 = tpu.memref_slice %arg8[%dma_wait3A] : memref<20480xi32, #tpu.memory_space<vmem>> -> memref<480xi32, #tpu.memory_space<vmem>>
      %dma_wait3A_34 = arith.constant 20000 : i32
      %dma_wait3A_35 = tpu.memref_slice %arg8[%dma_wait3A_34] : memref<20480xi32, #tpu.memory_space<vmem>> -> memref<480xi32, #tpu.memory_space<vmem>>
      tpu.wait_dma2 semaphore(%run_scoped3A_28 : memref<!tpu.dma_semaphore, #tpu.memory_space<semaphore_mem>>) src(%arg5 : memref<480xi32, #tpu.memory_space<hbm>>) dst(%dma_wait3A_35 : memref<480xi32, #tpu.memory_space<vmem>>)
      tpu.yield
    }) : () -> ()
    %mul3A_1 = arith.constant 20000 : i32
    %mul3A_2 = arith.muli %arg1, %mul3A_1 : i32
    %run_scoped3A_3 = arith.constant 1 : i32
    "tpu.region"() ({
      %run_scoped3A_28 = tpu.sem_alloc : memref<!tpu.dma_semaphore, #tpu.memory_space<semaphore_mem>>
      %dma_start3A_29 = arith.constant 0 : i32
      %dma_start3A_30 = tpu.memref_slice %arg9[%dma_start3A_29] : memref<20480xi32, #tpu.memory_space<vmem>> -> memref<20000xi32, #tpu.memory_space<vmem>>
      %dma_start3A_31 = tpu.memref_slice %arg3[%run_scoped3A_3, %mul3A_2] : memref<2x320000xi32, #tpu.memory_space<hbm>> -> memref<1x20000xi32, #tpu.memory_space<hbm>>
      %dma_start3A_32 = tpu.memref_squeeze %dma_start3A_31 : memref<1x20000xi32, #tpu.memory_space<hbm>> -> memref<20000xi32, #tpu.memory_space<hbm>>
      %dma_start3A_33 = arith.constant 0 : i32
      %dma_start3A_34 = tpu.memref_slice %arg9[%dma_start3A_33] : memref<20480xi32, #tpu.memory_space<vmem>> -> memref<20000xi32, #tpu.memory_space<vmem>>
      %dma_start3A_35 = tpu.memref_slice %arg3[%run_scoped3A_3, %mul3A_2] : memref<2x320000xi32, #tpu.memory_space<hbm>> -> memref<1x20000xi32, #tpu.memory_space<hbm>>
      %dma_start3A_36 = tpu.memref_squeeze %dma_start3A_35 : memref<1x20000xi32, #tpu.memory_space<hbm>> -> memref<20000xi32, #tpu.memory_space<hbm>>
      tpu.enqueue_dma source(%dma_start3A_36 : memref<20000xi32, #tpu.memory_space<hbm>>) target(%dma_start3A_34 : memref<20000xi32, #tpu.memory_space<vmem>>) target_semaphore(%run_scoped3A_28 : memref<!tpu.dma_semaphore, #tpu.memory_space<semaphore_mem>>)
      %dma_wait3A = arith.constant 0 : i32
      %dma_wait3A_37 = tpu.memref_slice %arg9[%dma_wait3A] : memref<20480xi32, #tpu.memory_space<vmem>> -> memref<20000xi32, #tpu.memory_space<vmem>>
      %dma_wait3A_38 = tpu.memref_slice %arg3[%run_scoped3A_3, %mul3A_2] : memref<2x320000xi32, #tpu.memory_space<hbm>> -> memref<1x20000xi32, #tpu.memory_space<hbm>>
      %dma_wait3A_39 = tpu.memref_squeeze %dma_wait3A_38 : memref<1x20000xi32, #tpu.memory_space<hbm>> -> memref<20000xi32, #tpu.memory_space<hbm>>
      %dma_wait3A_40 = arith.constant 0 : i32
      %dma_wait3A_41 = tpu.memref_slice %arg9[%dma_wait3A_40] : memref<20480xi32, #tpu.memory_space<vmem>> -> memref<20000xi32, #tpu.memory_space<vmem>>
      %dma_wait3A_42 = tpu.memref_slice %arg3[%run_scoped3A_3, %mul3A_2] : memref<2x320000xi32, #tpu.memory_space<hbm>> -> memref<1x20000xi32, #tpu.memory_space<hbm>>
      %dma_wait3A_43 = tpu.memref_squeeze %dma_wait3A_42 : memref<1x20000xi32, #tpu.memory_space<hbm>> -> memref<20000xi32, #tpu.memory_space<hbm>>
      tpu.wait_dma2 semaphore(%run_scoped3A_28 : memref<!tpu.dma_semaphore, #tpu.memory_space<semaphore_mem>>) src(%dma_wait3A_43 : memref<20000xi32, #tpu.memory_space<hbm>>) dst(%dma_wait3A_41 : memref<20000xi32, #tpu.memory_space<vmem>>)
      tpu.yield
    }) : () -> ()
    "tpu.region"() ({
      %run_scoped3A_28 = tpu.sem_alloc : memref<!tpu.dma_semaphore, #tpu.memory_space<semaphore_mem>>
      %dma_start3A_29 = arith.constant 20000 : i32
      %dma_start3A_30 = tpu.memref_slice %arg9[%dma_start3A_29] : memref<20480xi32, #tpu.memory_space<vmem>> -> memref<480xi32, #tpu.memory_space<vmem>>
      %dma_start3A_31 = arith.constant 20000 : i32
      %dma_start3A_32 = tpu.memref_slice %arg9[%dma_start3A_31] : memref<20480xi32, #tpu.memory_space<vmem>> -> memref<480xi32, #tpu.memory_space<vmem>>
      tpu.enqueue_dma source(%arg6 : memref<480xi32, #tpu.memory_space<hbm>>) target(%dma_start3A_32 : memref<480xi32, #tpu.memory_space<vmem>>) target_semaphore(%run_scoped3A_28 : memref<!tpu.dma_semaphore, #tpu.memory_space<semaphore_mem>>)
      %dma_wait3A = arith.constant 20000 : i32
      %dma_wait3A_33 = tpu.memref_slice %arg9[%dma_wait3A] : memref<20480xi32, #tpu.memory_space<vmem>> -> memref<480xi32, #tpu.memory_space<vmem>>
      %dma_wait3A_34 = arith.constant 20000 : i32
      %dma_wait3A_35 = tpu.memref_slice %arg9[%dma_wait3A_34] : memref<20480xi32, #tpu.memory_space<vmem>> -> memref<480xi32, #tpu.memory_space<vmem>>
      tpu.wait_dma2 semaphore(%run_scoped3A_28 : memref<!tpu.dma_semaphore, #tpu.memory_space<semaphore_mem>>) src(%arg6 : memref<480xi32, #tpu.memory_space<hbm>>) dst(%dma_wait3A_35 : memref<480xi32, #tpu.memory_space<vmem>>)
      tpu.yield
    }) : () -> ()
    "tpu.region"() ({
      %run_scoped3A_28 = tpu.sem_alloc : memref<!tpu.dma_semaphore, #tpu.memory_space<semaphore_mem>>
      tpu.enqueue_dma source(%arg4 : memref<640x32xf32, #tpu.memory_space<hbm>>) target(%arg12 : memref<640x32xf32, #tpu.memory_space<vmem>>) target_semaphore(%run_scoped3A_28 : memref<!tpu.dma_semaphore, #tpu.memory_space<semaphore_mem>>)
      tpu.wait_dma2 semaphore(%run_scoped3A_28 : memref<!tpu.dma_semaphore, #tpu.memory_space<semaphore_mem>>) src(%arg4 : memref<640x32xf32, #tpu.memory_space<hbm>>) dst(%arg12 : memref<640x32xf32, #tpu.memory_space<vmem>>)
      tpu.yield
    }) : () -> ()
    %mul3A_4 = arith.constant 640 : i32
    %mul3A_5 = arith.muli %arg1, %mul3A_4 : i32
    "tpu.region"() ({
      %run_scoped3A_28 = tpu.sem_alloc : memref<!tpu.dma_semaphore, #tpu.memory_space<semaphore_mem>>
      %dma_start3A_29 = arith.constant 0 : i32
      %dma_start3A_30 = tpu.memref_slice %arg14[%mul3A_5, %dma_start3A_29] : memref<10240x32xf32, #tpu.memory_space<vmem_shared>> -> memref<640x32xf32, #tpu.memory_space<vmem_shared>>
      %dma_start3A_31 = arith.constant 0 : i32
      %dma_start3A_32 = tpu.memref_slice %arg14[%mul3A_5, %dma_start3A_31] : memref<10240x32xf32, #tpu.memory_space<vmem_shared>> -> memref<640x32xf32, #tpu.memory_space<vmem_shared>>
      tpu.enqueue_dma source(%arg12 : memref<640x32xf32, #tpu.memory_space<vmem>>) target(%dma_start3A_32 : memref<640x32xf32, #tpu.memory_space<vmem_shared>>) target_semaphore(%run_scoped3A_28 : memref<!tpu.dma_semaphore, #tpu.memory_space<semaphore_mem>>)
      %dma_wait3A = arith.constant 0 : i32
      %dma_wait3A_33 = tpu.memref_slice %arg14[%mul3A_5, %dma_wait3A] : memref<10240x32xf32, #tpu.memory_space<vmem_shared>> -> memref<640x32xf32, #tpu.memory_space<vmem_shared>>
      %dma_wait3A_34 = arith.constant 0 : i32
      %dma_wait3A_35 = tpu.memref_slice %arg14[%mul3A_5, %dma_wait3A_34] : memref<10240x32xf32, #tpu.memory_space<vmem_shared>> -> memref<640x32xf32, #tpu.memory_space<vmem_shared>>
      tpu.wait_dma2 semaphore(%run_scoped3A_28 : memref<!tpu.dma_semaphore, #tpu.memory_space<semaphore_mem>>) src(%arg12 : memref<640x32xf32, #tpu.memory_space<vmem>>) dst(%dma_wait3A_35 : memref<640x32xf32, #tpu.memory_space<vmem_shared>>)
      tpu.yield
    }) : () -> ()
    %mul3A_6 = arith.constant 640 : i32
    %mul3A_7 = arith.muli %arg1, %mul3A_6 : i32
    %mul3A_8 = arith.constant 32 : i32
    %mul3A_9 = arith.muli %mul3A_8, %arg0 : i32
    "tpu.region"() ({
      %run_scoped3A_28 = tpu.sem_alloc : memref<!tpu.dma_semaphore, #tpu.memory_space<semaphore_mem>>
      %dma_start3A_29 = tpu.memref_slice %arg2[%mul3A_7, %mul3A_9] : memref<10240x128xf32, #tpu.memory_space<hbm>> -> memref<640x32xf32, #tpu.memory_space<hbm>>
      %dma_start3A_30 = tpu.memref_slice %arg2[%mul3A_7, %mul3A_9] : memref<10240x128xf32, #tpu.memory_space<hbm>> -> memref<640x32xf32, #tpu.memory_space<hbm>>
      tpu.enqueue_dma source(%dma_start3A_30 : memref<640x32xf32, #tpu.memory_space<hbm>>) target(%arg12 : memref<640x32xf32, #tpu.memory_space<vmem>>) target_semaphore(%run_scoped3A_28 : memref<!tpu.dma_semaphore, #tpu.memory_space<semaphore_mem>>)
      %dma_wait3A = tpu.memref_slice %arg2[%mul3A_7, %mul3A_9] : memref<10240x128xf32, #tpu.memory_space<hbm>> -> memref<640x32xf32, #tpu.memory_space<hbm>>
      %dma_wait3A_31 = tpu.memref_slice %arg2[%mul3A_7, %mul3A_9] : memref<10240x128xf32, #tpu.memory_space<hbm>> -> memref<640x32xf32, #tpu.memory_space<hbm>>
      tpu.wait_dma2 semaphore(%run_scoped3A_28 : memref<!tpu.dma_semaphore, #tpu.memory_space<semaphore_mem>>) src(%dma_wait3A_31 : memref<640x32xf32, #tpu.memory_space<hbm>>) dst(%arg12 : memref<640x32xf32, #tpu.memory_space<vmem>>)
      tpu.yield
    }) : () -> ()
    %mul3A_10 = arith.constant 640 : i32
    %mul3A_11 = arith.muli %arg1, %mul3A_10 : i32
    "tpu.region"() ({
      %run_scoped3A_28 = tpu.sem_alloc : memref<!tpu.dma_semaphore, #tpu.memory_space<semaphore_mem>>
      %dma_start3A_29 = arith.constant 0 : i32
      %dma_start3A_30 = tpu.memref_slice %arg13[%mul3A_11, %dma_start3A_29] : memref<10240x32xf32, #tpu.memory_space<vmem_shared>> -> memref<640x32xf32, #tpu.memory_space<vmem_shared>>
      %dma_start3A_31 = arith.constant 0 : i32
      %dma_start3A_32 = tpu.memref_slice %arg13[%mul3A_11, %dma_start3A_31] : memref<10240x32xf32, #tpu.memory_space<vmem_shared>> -> memref<640x32xf32, #tpu.memory_space<vmem_shared>>
      tpu.enqueue_dma source(%arg12 : memref<640x32xf32, #tpu.memory_space<vmem>>) target(%dma_start3A_32 : memref<640x32xf32, #tpu.memory_space<vmem_shared>>) target_semaphore(%run_scoped3A_28 : memref<!tpu.dma_semaphore, #tpu.memory_space<semaphore_mem>>)
      %dma_wait3A = arith.constant 0 : i32
      %dma_wait3A_33 = tpu.memref_slice %arg13[%mul3A_11, %dma_wait3A] : memref<10240x32xf32, #tpu.memory_space<vmem_shared>> -> memref<640x32xf32, #tpu.memory_space<vmem_shared>>
      %dma_wait3A_34 = arith.constant 0 : i32
      %dma_wait3A_35 = tpu.memref_slice %arg13[%mul3A_11, %dma_wait3A_34] : memref<10240x32xf32, #tpu.memory_space<vmem_shared>> -> memref<640x32xf32, #tpu.memory_space<vmem_shared>>
      tpu.wait_dma2 semaphore(%run_scoped3A_28 : memref<!tpu.dma_semaphore, #tpu.memory_space<semaphore_mem>>) src(%arg12 : memref<640x32xf32, #tpu.memory_space<vmem>>) dst(%dma_wait3A_35 : memref<640x32xf32, #tpu.memory_space<vmem_shared>>)
      tpu.yield
    }) : () -> ()
    %barrier3A = arith.constant 0 : index
    tpu.barrier barrier_id(%barrier3A)
    %dma_start3A = arith.constant 0 : i32
    %dma_start3A_12 = tpu.memref_slice %arg8[%dma_start3A] : memref<20480xi32, #tpu.memory_space<vmem>> -> memref<128xi32, #tpu.memory_space<vmem>>
    %dma_start3A_13 = arith.constant 0 : i32
    %dma_start3A_14 = arith.constant 0 : i32
    %dma_start3A_15 = tpu.memref_slice %arg13[%dma_start3A_13, %dma_start3A_14] : memref<10240x32xf32, #tpu.memory_space<vmem_shared>> -> memref<10240x32xf32, #tpu.memory_space<vmem_shared>>
    tpu.enqueue_indirect_dma source(%dma_start3A_15 : memref<10240x32xf32, #tpu.memory_space<vmem_shared>>) target(%arg10 : memref<128x32xf32, #tpu.memory_space<vmem>>) offsets(%dma_start3A_12 : memref<128xi32, #tpu.memory_space<vmem>>) semaphore(%arg15 : memref<!tpu.dma_semaphore, #tpu.memory_space<semaphore_mem>>)
    %scan3A = arith.constant 0 : i32
    %scan3A_16 = arith.constant 0 : i32
    %scan3A_17 = arith.constant 80 : i32
    %scan3A_18 = arith.addi %scan3A_16, %scan3A_17 : i32
    %scan3A_19 = arith.constant 1 : i32
    scf.for %scan3A_28 = %scan3A_16 to %scan3A_18 step %scan3A_19  : i32 {
      %mul3A_29 = arith.constant 2 : i32
      %mul3A_30 = arith.muli %mul3A_29, %scan3A_28 : i32
      %mul3A_31 = arith.constant 128 : i32
      %mul3A_32 = arith.muli %mul3A_30, %mul3A_31 : i32
      %add3A = arith.constant 128 : i32
      %add3A_33 = arith.addi %mul3A_32, %add3A : i32
      %dma_start3A_34 = tpu.memref_slice %arg8[%add3A_33] : memref<20480xi32, #tpu.memory_space<vmem>> -> memref<128xi32, #tpu.memory_space<vmem>>
      %dma_start3A_35 = arith.constant 0 : i32
      %dma_start3A_36 = arith.constant 0 : i32
      %dma_start3A_37 = tpu.memref_slice %arg13[%dma_start3A_35, %dma_start3A_36] : memref<10240x32xf32, #tpu.memory_space<vmem_shared>> -> memref<10240x32xf32, #tpu.memory_space<vmem_shared>>
      tpu.enqueue_indirect_dma source(%dma_start3A_37 : memref<10240x32xf32, #tpu.memory_space<vmem_shared>>) target(%arg11 : memref<128x32xf32, #tpu.memory_space<vmem>>) offsets(%dma_start3A_34 : memref<128xi32, #tpu.memory_space<vmem>>) semaphore(%arg16 : memref<!tpu.dma_semaphore, #tpu.memory_space<semaphore_mem>>)
      %dma_wait3A = tpu.memref_slice %arg8[%mul3A_32] : memref<20480xi32, #tpu.memory_space<vmem>> -> memref<128xi32, #tpu.memory_space<vmem>>
      %dma_wait3A_38 = arith.constant 0 : i32
      %dma_wait3A_39 = arith.constant 0 : i32
      %dma_wait3A_40 = tpu.memref_slice %arg13[%dma_wait3A_38, %dma_wait3A_39] : memref<10240x32xf32, #tpu.memory_space<vmem_shared>> -> memref<10240x32xf32, #tpu.memory_space<vmem_shared>>
      tpu.wait_indirect_dma semaphore(%arg15 : memref<!tpu.dma_semaphore, #tpu.memory_space<semaphore_mem>>) src(%dma_wait3A_40 : memref<10240x32xf32, #tpu.memory_space<vmem_shared>>) dst(%arg10 : memref<128x32xf32, #tpu.memory_space<vmem>>)
      "tpu.region"() ({
        %run_scoped3A_51 = tpu.sem_alloc : memref<!tpu.dma_semaphore, #tpu.memory_space<semaphore_mem>>
        %dma_start3A_52 = tpu.memref_slice %arg9[%mul3A_32] : memref<20480xi32, #tpu.memory_space<vmem>> -> memref<128xi32, #tpu.memory_space<vmem>>
        %dma_start3A_53 = arith.constant 0 : i32
        %dma_start3A_54 = arith.constant 0 : i32
        %dma_start3A_55 = tpu.memref_slice %arg14[%dma_start3A_53, %dma_start3A_54] : memref<10240x32xf32, #tpu.memory_space<vmem_shared>> -> memref<10240x32xf32, #tpu.memory_space<vmem_shared>>
        tpu.enqueue_indirect_dma source(%arg10 : memref<128x32xf32, #tpu.memory_space<vmem>>) target(%dma_start3A_55 : memref<10240x32xf32, #tpu.memory_space<vmem_shared>>) offsets(%dma_start3A_52 : memref<128xi32, #tpu.memory_space<vmem>>) semaphore(%run_scoped3A_51 : memref<!tpu.dma_semaphore, #tpu.memory_space<semaphore_mem>>) {add = true}
        %dma_wait3A_56 = tpu.memref_slice %arg9[%mul3A_32] : memref<20480xi32, #tpu.memory_space<vmem>> -> memref<128xi32, #tpu.memory_space<vmem>>
        %dma_wait3A_57 = arith.constant 0 : i32
        %dma_wait3A_58 = arith.constant 0 : i32
        %dma_wait3A_59 = tpu.memref_slice %arg14[%dma_wait3A_57, %dma_wait3A_58] : memref<10240x32xf32, #tpu.memory_space<vmem_shared>> -> memref<10240x32xf32, #tpu.memory_space<vmem_shared>>
        tpu.wait_indirect_dma semaphore(%run_scoped3A_51 : memref<!tpu.dma_semaphore, #tpu.memory_space<semaphore_mem>>) src(%arg10 : memref<128x32xf32, #tpu.memory_space<vmem>>) dst(%dma_wait3A_59 : memref<10240x32xf32, #tpu.memory_space<vmem_shared>>)
        tpu.yield
      }) : () -> ()
      %lt3A = arith.constant 79 : i32
      %lt3A_41 = arith.cmpi slt, %scan3A_28, %lt3A : i32
      %convert_element_type3A = arith.extui %lt3A_41 : i1 to i32
      %cond3A = arith.constant 0 : i32
      %cond3A_42 = arith.cmpi ne, %convert_element_type3A, %cond3A : i32
      scf.if %cond3A_42 {
        %add3A_51 = arith.constant 256 : i32
        %add3A_52 = arith.addi %mul3A_32, %add3A_51 : i32
        %dma_start3A_53 = tpu.memref_slice %arg8[%add3A_52] : memref<20480xi32, #tpu.memory_space<vmem>> -> memref<128xi32, #tpu.memory_space<vmem>>
        %dma_start3A_54 = arith.constant 0 : i32
        %dma_start3A_55 = arith.constant 0 : i32
        %dma_start3A_56 = tpu.memref_slice %arg13[%dma_start3A_54, %dma_start3A_55] : memref<10240x32xf32, #tpu.memory_space<vmem_shared>> -> memref<10240x32xf32, #tpu.memory_space<vmem_shared>>
        tpu.enqueue_indirect_dma source(%dma_start3A_56 : memref<10240x32xf32, #tpu.memory_space<vmem_shared>>) target(%arg10 : memref<128x32xf32, #tpu.memory_space<vmem>>) offsets(%dma_start3A_53 : memref<128xi32, #tpu.memory_space<vmem>>) semaphore(%arg15 : memref<!tpu.dma_semaphore, #tpu.memory_space<semaphore_mem>>)
      } else {
      }
      %add3A_43 = arith.constant 128 : i32
      %add3A_44 = arith.addi %mul3A_32, %add3A_43 : i32
      %dma_wait3A_45 = tpu.memref_slice %arg8[%add3A_44] : memref<20480xi32, #tpu.memory_space<vmem>> -> memref<128xi32, #tpu.memory_space<vmem>>
      %dma_wait3A_46 = arith.constant 0 : i32
      %dma_wait3A_47 = arith.constant 0 : i32
      %dma_wait3A_48 = tpu.memref_slice %arg13[%dma_wait3A_46, %dma_wait3A_47] : memref<10240x32xf32, #tpu.memory_space<vmem_shared>> -> memref<10240x32xf32, #tpu.memory_space<vmem_shared>>
      tpu.wait_indirect_dma semaphore(%arg16 : memref<!tpu.dma_semaphore, #tpu.memory_space<semaphore_mem>>) src(%dma_wait3A_48 : memref<10240x32xf32, #tpu.memory_space<vmem_shared>>) dst(%arg11 : memref<128x32xf32, #tpu.memory_space<vmem>>)
      %add3A_49 = arith.constant 128 : i32
      %add3A_50 = arith.addi %mul3A_32, %add3A_49 : i32
      "tpu.region"() ({
        %run_scoped3A_51 = tpu.sem_alloc : memref<!tpu.dma_semaphore, #tpu.memory_space<semaphore_mem>>
        %dma_start3A_52 = tpu.memref_slice %arg9[%add3A_50] : memref<20480xi32, #tpu.memory_space<vmem>> -> memref<128xi32, #tpu.memory_space<vmem>>
        %dma_start3A_53 = arith.constant 0 : i32
        %dma_start3A_54 = arith.constant 0 : i32
        %dma_start3A_55 = tpu.memref_slice %arg14[%dma_start3A_53, %dma_start3A_54] : memref<10240x32xf32, #tpu.memory_space<vmem_shared>> -> memref<10240x32xf32, #tpu.memory_space<vmem_shared>>
        tpu.enqueue_indirect_dma source(%arg11 : memref<128x32xf32, #tpu.memory_space<vmem>>) target(%dma_start3A_55 : memref<10240x32xf32, #tpu.memory_space<vmem_shared>>) offsets(%dma_start3A_52 : memref<128xi32, #tpu.memory_space<vmem>>) semaphore(%run_scoped3A_51 : memref<!tpu.dma_semaphore, #tpu.memory_space<semaphore_mem>>) {add = true}
        %dma_wait3A_56 = tpu.memref_slice %arg9[%add3A_50] : memref<20480xi32, #tpu.memory_space<vmem>> -> memref<128xi32, #tpu.memory_space<vmem>>
        %dma_wait3A_57 = arith.constant 0 : i32
        %dma_wait3A_58 = arith.constant 0 : i32
        %dma_wait3A_59 = tpu.memref_slice %arg14[%dma_wait3A_57, %dma_wait3A_58] : memref<10240x32xf32, #tpu.memory_space<vmem_shared>> -> memref<10240x32xf32, #tpu.memory_space<vmem_shared>>
        tpu.wait_indirect_dma semaphore(%run_scoped3A_51 : memref<!tpu.dma_semaphore, #tpu.memory_space<semaphore_mem>>) src(%arg11 : memref<128x32xf32, #tpu.memory_space<vmem>>) dst(%dma_wait3A_59 : memref<10240x32xf32, #tpu.memory_space<vmem_shared>>)
        tpu.yield
      }) : () -> ()
    }
    %scan3A_20 = arith.constant 80 : i32
    %barrier3A_21 = arith.constant 0 : index
    tpu.barrier barrier_id(%barrier3A_21)
    %mul3A_22 = arith.constant 640 : i32
    %mul3A_23 = arith.muli %arg1, %mul3A_22 : i32
    %mul3A_24 = arith.constant 640 : i32
    %mul3A_25 = arith.muli %arg1, %mul3A_24 : i32
    %mul3A_26 = arith.constant 32 : i32
    %mul3A_27 = arith.muli %mul3A_26, %arg0 : i32
    "tpu.region"() ({
      %run_scoped3A_28 = tpu.sem_alloc : memref<!tpu.dma_semaphore, #tpu.memory_space<semaphore_mem>>
      %dma_start3A_29 = tpu.memref_slice %arg7[%mul3A_25, %mul3A_27] : memref<10240x64xf32, #tpu.memory_space<hbm>> -> memref<640x32xf32, #tpu.memory_space<hbm>>
      %dma_start3A_30 = arith.constant 0 : i32
      %dma_start3A_31 = tpu.memref_slice %arg14[%mul3A_23, %dma_start3A_30] : memref<10240x32xf32, #tpu.memory_space<vmem_shared>> -> memref<640x32xf32, #tpu.memory_space<vmem_shared>>
      tpu.enqueue_dma source(%dma_start3A_31 : memref<640x32xf32, #tpu.memory_space<vmem_shared>>) target(%dma_start3A_29 : memref<640x32xf32, #tpu.memory_space<hbm>>) target_semaphore(%run_scoped3A_28 : memref<!tpu.dma_semaphore, #tpu.memory_space<semaphore_mem>>)
      %dma_wait3A = tpu.memref_slice %arg7[%mul3A_25, %mul3A_27] : memref<10240x64xf32, #tpu.memory_space<hbm>> -> memref<640x32xf32, #tpu.memory_space<hbm>>
      %dma_wait3A_32 = arith.constant 0 : i32
      %dma_wait3A_33 = tpu.memref_slice %arg14[%mul3A_23, %dma_wait3A_32] : memref<10240x32xf32, #tpu.memory_space<vmem_shared>> -> memref<640x32xf32, #tpu.memory_space<vmem_shared>>
      tpu.wait_dma2 semaphore(%run_scoped3A_28 : memref<!tpu.dma_semaphore, #tpu.memory_space<semaphore_mem>>) src(%dma_wait3A_33 : memref<640x32xf32, #tpu.memory_space<vmem_shared>>) dst(%dma_wait3A : memref<640x32xf32, #tpu.memory_space<hbm>>)
      tpu.yield
    }) : () -> ()
    return
  }
}

#map = affine_map<(d0, d1) -> (0, 0)>
#map1 = affine_map<(d0, d1) -> (0)>
#map2 = affine_map<(d0, d1) -> (0, 0, 0)>
module attributes {stable_mosaic.version = 14 : i64} {
  func.func @_deg_body(%arg0: i32, %arg1: i32, %arg2: memref<2x320000xi32, #tpu.memory_space<hbm>>, %arg3: memref<128x16xf32, #tpu.memory_space<hbm>>, %arg4: memref<640x16xf32, #tpu.memory_space<hbm>>, %arg5: memref<112xi32, #tpu.memory_space<hbm>>, %arg6: memref<2x10240x16xf32, #tpu.memory_space<hbm>>, %arg7: memref<10112xi32, #tpu.memory_space<vmem>>, %arg8: memref<128x16xf32, #tpu.memory_space<vmem>>, %arg9: memref<640x16xf32, #tpu.memory_space<vmem>>, %arg10: memref<10240x16xf32, #tpu.memory_space<vmem_shared>>, %arg11: memref<!tpu.dma_semaphore, #tpu.memory_space<semaphore_mem>>) attributes {dimension_semantics = [#tpu.dimension_semantics<core_parallel>, #tpu.dimension_semantics<subcore_parallel>], iteration_bounds = array<i64: 2, 16>, scalar_prefetch = 0 : i64, scratch_operands = 5 : i64, tpu.core_type = #tpu.core_type<sc_vector_subcore>, window_params = [{transform_indices = #map}, {transform_indices = #map}, {transform_indices = #map}, {transform_indices = #map1}, {transform_indices = #map2}]} {
    %mul3A = arith.constant 2 : i32
    %mul3A_0 = arith.muli %arg1, %mul3A : i32
    %add3A = arith.addi %mul3A_0, %arg0 : i32
    "tpu.region"() ({
      %run_scoped3A_21 = tpu.sem_alloc : memref<!tpu.dma_semaphore, #tpu.memory_space<semaphore_mem>>
      tpu.enqueue_dma source(%arg3 : memref<128x16xf32, #tpu.memory_space<hbm>>) target(%arg8 : memref<128x16xf32, #tpu.memory_space<vmem>>) target_semaphore(%run_scoped3A_21 : memref<!tpu.dma_semaphore, #tpu.memory_space<semaphore_mem>>)
      tpu.wait_dma2 semaphore(%run_scoped3A_21 : memref<!tpu.dma_semaphore, #tpu.memory_space<semaphore_mem>>) src(%arg3 : memref<128x16xf32, #tpu.memory_space<hbm>>) dst(%arg8 : memref<128x16xf32, #tpu.memory_space<vmem>>)
      tpu.yield
    }) : () -> ()
    "tpu.region"() ({
      %run_scoped3A_21 = tpu.sem_alloc : memref<!tpu.dma_semaphore, #tpu.memory_space<semaphore_mem>>
      tpu.enqueue_dma source(%arg4 : memref<640x16xf32, #tpu.memory_space<hbm>>) target(%arg9 : memref<640x16xf32, #tpu.memory_space<vmem>>) target_semaphore(%run_scoped3A_21 : memref<!tpu.dma_semaphore, #tpu.memory_space<semaphore_mem>>)
      tpu.wait_dma2 semaphore(%run_scoped3A_21 : memref<!tpu.dma_semaphore, #tpu.memory_space<semaphore_mem>>) src(%arg4 : memref<640x16xf32, #tpu.memory_space<hbm>>) dst(%arg9 : memref<640x16xf32, #tpu.memory_space<vmem>>)
      tpu.yield
    }) : () -> ()
    %mul3A_1 = arith.constant 10000 : i32
    %mul3A_2 = arith.muli %add3A, %mul3A_1 : i32
    %run_scoped3A = arith.constant 1 : i32
    "tpu.region"() ({
      %run_scoped3A_21 = tpu.sem_alloc : memref<!tpu.dma_semaphore, #tpu.memory_space<semaphore_mem>>
      %dma_start3A = arith.constant 0 : i32
      %dma_start3A_22 = tpu.memref_slice %arg7[%dma_start3A] : memref<10112xi32, #tpu.memory_space<vmem>> -> memref<10000xi32, #tpu.memory_space<vmem>>
      %dma_start3A_23 = tpu.memref_slice %arg2[%run_scoped3A, %mul3A_2] : memref<2x320000xi32, #tpu.memory_space<hbm>> -> memref<1x10000xi32, #tpu.memory_space<hbm>>
      %dma_start3A_24 = tpu.memref_squeeze %dma_start3A_23 : memref<1x10000xi32, #tpu.memory_space<hbm>> -> memref<10000xi32, #tpu.memory_space<hbm>>
      %dma_start3A_25 = arith.constant 0 : i32
      %dma_start3A_26 = tpu.memref_slice %arg7[%dma_start3A_25] : memref<10112xi32, #tpu.memory_space<vmem>> -> memref<10000xi32, #tpu.memory_space<vmem>>
      %dma_start3A_27 = tpu.memref_slice %arg2[%run_scoped3A, %mul3A_2] : memref<2x320000xi32, #tpu.memory_space<hbm>> -> memref<1x10000xi32, #tpu.memory_space<hbm>>
      %dma_start3A_28 = tpu.memref_squeeze %dma_start3A_27 : memref<1x10000xi32, #tpu.memory_space<hbm>> -> memref<10000xi32, #tpu.memory_space<hbm>>
      tpu.enqueue_dma source(%dma_start3A_28 : memref<10000xi32, #tpu.memory_space<hbm>>) target(%dma_start3A_26 : memref<10000xi32, #tpu.memory_space<vmem>>) target_semaphore(%run_scoped3A_21 : memref<!tpu.dma_semaphore, #tpu.memory_space<semaphore_mem>>)
      %dma_wait3A = arith.constant 0 : i32
      %dma_wait3A_29 = tpu.memref_slice %arg7[%dma_wait3A] : memref<10112xi32, #tpu.memory_space<vmem>> -> memref<10000xi32, #tpu.memory_space<vmem>>
      %dma_wait3A_30 = tpu.memref_slice %arg2[%run_scoped3A, %mul3A_2] : memref<2x320000xi32, #tpu.memory_space<hbm>> -> memref<1x10000xi32, #tpu.memory_space<hbm>>
      %dma_wait3A_31 = tpu.memref_squeeze %dma_wait3A_30 : memref<1x10000xi32, #tpu.memory_space<hbm>> -> memref<10000xi32, #tpu.memory_space<hbm>>
      %dma_wait3A_32 = arith.constant 0 : i32
      %dma_wait3A_33 = tpu.memref_slice %arg7[%dma_wait3A_32] : memref<10112xi32, #tpu.memory_space<vmem>> -> memref<10000xi32, #tpu.memory_space<vmem>>
      %dma_wait3A_34 = tpu.memref_slice %arg2[%run_scoped3A, %mul3A_2] : memref<2x320000xi32, #tpu.memory_space<hbm>> -> memref<1x10000xi32, #tpu.memory_space<hbm>>
      %dma_wait3A_35 = tpu.memref_squeeze %dma_wait3A_34 : memref<1x10000xi32, #tpu.memory_space<hbm>> -> memref<10000xi32, #tpu.memory_space<hbm>>
      tpu.wait_dma2 semaphore(%run_scoped3A_21 : memref<!tpu.dma_semaphore, #tpu.memory_space<semaphore_mem>>) src(%dma_wait3A_35 : memref<10000xi32, #tpu.memory_space<hbm>>) dst(%dma_wait3A_33 : memref<10000xi32, #tpu.memory_space<vmem>>)
      tpu.yield
    }) : () -> ()
    "tpu.region"() ({
      %run_scoped3A_21 = tpu.sem_alloc : memref<!tpu.dma_semaphore, #tpu.memory_space<semaphore_mem>>
      %dma_start3A = arith.constant 10000 : i32
      %dma_start3A_22 = tpu.memref_slice %arg7[%dma_start3A] : memref<10112xi32, #tpu.memory_space<vmem>> -> memref<112xi32, #tpu.memory_space<vmem>>
      %dma_start3A_23 = arith.constant 10000 : i32
      %dma_start3A_24 = tpu.memref_slice %arg7[%dma_start3A_23] : memref<10112xi32, #tpu.memory_space<vmem>> -> memref<112xi32, #tpu.memory_space<vmem>>
      tpu.enqueue_dma source(%arg5 : memref<112xi32, #tpu.memory_space<hbm>>) target(%dma_start3A_24 : memref<112xi32, #tpu.memory_space<vmem>>) target_semaphore(%run_scoped3A_21 : memref<!tpu.dma_semaphore, #tpu.memory_space<semaphore_mem>>)
      %dma_wait3A = arith.constant 10000 : i32
      %dma_wait3A_25 = tpu.memref_slice %arg7[%dma_wait3A] : memref<10112xi32, #tpu.memory_space<vmem>> -> memref<112xi32, #tpu.memory_space<vmem>>
      %dma_wait3A_26 = arith.constant 10000 : i32
      %dma_wait3A_27 = tpu.memref_slice %arg7[%dma_wait3A_26] : memref<10112xi32, #tpu.memory_space<vmem>> -> memref<112xi32, #tpu.memory_space<vmem>>
      tpu.wait_dma2 semaphore(%run_scoped3A_21 : memref<!tpu.dma_semaphore, #tpu.memory_space<semaphore_mem>>) src(%arg5 : memref<112xi32, #tpu.memory_space<hbm>>) dst(%dma_wait3A_27 : memref<112xi32, #tpu.memory_space<vmem>>)
      tpu.yield
    }) : () -> ()
    %mul3A_3 = arith.constant 640 : i32
    %mul3A_4 = arith.muli %arg1, %mul3A_3 : i32
    "tpu.region"() ({
      %run_scoped3A_21 = tpu.sem_alloc : memref<!tpu.dma_semaphore, #tpu.memory_space<semaphore_mem>>
      %dma_start3A = arith.constant 0 : i32
      %dma_start3A_22 = tpu.memref_slice %arg10[%mul3A_4, %dma_start3A] : memref<10240x16xf32, #tpu.memory_space<vmem_shared>> -> memref<640x16xf32, #tpu.memory_space<vmem_shared>>
      %dma_start3A_23 = arith.constant 0 : i32
      %dma_start3A_24 = tpu.memref_slice %arg10[%mul3A_4, %dma_start3A_23] : memref<10240x16xf32, #tpu.memory_space<vmem_shared>> -> memref<640x16xf32, #tpu.memory_space<vmem_shared>>
      tpu.enqueue_dma source(%arg9 : memref<640x16xf32, #tpu.memory_space<vmem>>) target(%dma_start3A_24 : memref<640x16xf32, #tpu.memory_space<vmem_shared>>) target_semaphore(%run_scoped3A_21 : memref<!tpu.dma_semaphore, #tpu.memory_space<semaphore_mem>>)
      %dma_wait3A = arith.constant 0 : i32
      %dma_wait3A_25 = tpu.memref_slice %arg10[%mul3A_4, %dma_wait3A] : memref<10240x16xf32, #tpu.memory_space<vmem_shared>> -> memref<640x16xf32, #tpu.memory_space<vmem_shared>>
      %dma_wait3A_26 = arith.constant 0 : i32
      %dma_wait3A_27 = tpu.memref_slice %arg10[%mul3A_4, %dma_wait3A_26] : memref<10240x16xf32, #tpu.memory_space<vmem_shared>> -> memref<640x16xf32, #tpu.memory_space<vmem_shared>>
      tpu.wait_dma2 semaphore(%run_scoped3A_21 : memref<!tpu.dma_semaphore, #tpu.memory_space<semaphore_mem>>) src(%arg9 : memref<640x16xf32, #tpu.memory_space<vmem>>) dst(%dma_wait3A_27 : memref<640x16xf32, #tpu.memory_space<vmem_shared>>)
      tpu.yield
    }) : () -> ()
    %barrier3A = arith.constant 0 : index
    tpu.barrier barrier_id(%barrier3A)
    %scan3A = arith.constant 0 : i32
    %scan3A_5 = arith.constant 0 : i32
    %scan3A_6 = arith.constant 79 : i32
    %scan3A_7 = arith.addi %scan3A_5, %scan3A_6 : i32
    %scan3A_8 = arith.constant 1 : i32
    scf.for %scan3A_21 = %scan3A_5 to %scan3A_7 step %scan3A_8  : i32 {
      %mul3A_22 = arith.constant 128 : i32
      %mul3A_23 = arith.muli %scan3A_21, %mul3A_22 : i32
      %dma_start3A = tpu.memref_slice %arg7[%mul3A_23] : memref<10112xi32, #tpu.memory_space<vmem>> -> memref<128xi32, #tpu.memory_space<vmem>>
      %dma_start3A_24 = arith.constant 0 : i32
      %dma_start3A_25 = arith.constant 0 : i32
      %dma_start3A_26 = tpu.memref_slice %arg10[%dma_start3A_24, %dma_start3A_25] : memref<10240x16xf32, #tpu.memory_space<vmem_shared>> -> memref<10240x16xf32, #tpu.memory_space<vmem_shared>>
      tpu.enqueue_indirect_dma source(%arg8 : memref<128x16xf32, #tpu.memory_space<vmem>>) target(%dma_start3A_26 : memref<10240x16xf32, #tpu.memory_space<vmem_shared>>) offsets(%dma_start3A : memref<128xi32, #tpu.memory_space<vmem>>) semaphore(%arg11 : memref<!tpu.dma_semaphore, #tpu.memory_space<semaphore_mem>>) {add = true}
    }
    %scan3A_9 = arith.constant 79 : i32
    %scan3A_10 = arith.constant 0 : i32
    %scan3A_11 = arith.constant 0 : i32
    %scan3A_12 = arith.constant 79 : i32
    %scan3A_13 = arith.addi %scan3A_11, %scan3A_12 : i32
    %scan3A_14 = arith.constant 1 : i32
    scf.for %scan3A_21 = %scan3A_11 to %scan3A_13 step %scan3A_14  : i32 {
      %dma_wait3A = arith.constant 0 : i32
      %dma_wait3A_22 = tpu.memref_slice %arg7[%dma_wait3A] : memref<10112xi32, #tpu.memory_space<vmem>> -> memref<128xi32, #tpu.memory_space<vmem>>
      %dma_wait3A_23 = arith.constant 0 : i32
      %dma_wait3A_24 = arith.constant 0 : i32
      %dma_wait3A_25 = tpu.memref_slice %arg10[%dma_wait3A_23, %dma_wait3A_24] : memref<10240x16xf32, #tpu.memory_space<vmem_shared>> -> memref<10240x16xf32, #tpu.memory_space<vmem_shared>>
      tpu.wait_indirect_dma semaphore(%arg11 : memref<!tpu.dma_semaphore, #tpu.memory_space<semaphore_mem>>) src(%arg8 : memref<128x16xf32, #tpu.memory_space<vmem>>) dst(%dma_wait3A_25 : memref<10240x16xf32, #tpu.memory_space<vmem_shared>>)
    }
    %scan3A_15 = arith.constant 79 : i32
    %barrier3A_16 = arith.constant 0 : index
    tpu.barrier barrier_id(%barrier3A_16)
    %mul3A_17 = arith.constant 640 : i32
    %mul3A_18 = arith.muli %arg1, %mul3A_17 : i32
    %mul3A_19 = arith.constant 640 : i32
    %mul3A_20 = arith.muli %arg1, %mul3A_19 : i32
    "tpu.region"() ({
      %run_scoped3A_21 = tpu.sem_alloc : memref<!tpu.dma_semaphore, #tpu.memory_space<semaphore_mem>>
      %dma_start3A = arith.constant 0 : i32
      %dma_start3A_22 = tpu.memref_slice %arg6[%arg0, %mul3A_20, %dma_start3A] : memref<2x10240x16xf32, #tpu.memory_space<hbm>> -> memref<1x640x16xf32, #tpu.memory_space<hbm>>
      %dma_start3A_23 = tpu.memref_squeeze %dma_start3A_22 : memref<1x640x16xf32, #tpu.memory_space<hbm>> -> memref<640x16xf32, #tpu.memory_space<hbm>>
      %dma_start3A_24 = arith.constant 0 : i32
      %dma_start3A_25 = tpu.memref_slice %arg10[%mul3A_18, %dma_start3A_24] : memref<10240x16xf32, #tpu.memory_space<vmem_shared>> -> memref<640x16xf32, #tpu.memory_space<vmem_shared>>
      tpu.enqueue_dma source(%dma_start3A_25 : memref<640x16xf32, #tpu.memory_space<vmem_shared>>) target(%dma_start3A_23 : memref<640x16xf32, #tpu.memory_space<hbm>>) target_semaphore(%run_scoped3A_21 : memref<!tpu.dma_semaphore, #tpu.memory_space<semaphore_mem>>)
      %dma_wait3A = arith.constant 0 : i32
      %dma_wait3A_26 = tpu.memref_slice %arg6[%arg0, %mul3A_20, %dma_wait3A] : memref<2x10240x16xf32, #tpu.memory_space<hbm>> -> memref<1x640x16xf32, #tpu.memory_space<hbm>>
      %dma_wait3A_27 = tpu.memref_squeeze %dma_wait3A_26 : memref<1x640x16xf32, #tpu.memory_space<hbm>> -> memref<640x16xf32, #tpu.memory_space<hbm>>
      %dma_wait3A_28 = arith.constant 0 : i32
      %dma_wait3A_29 = tpu.memref_slice %arg10[%mul3A_18, %dma_wait3A_28] : memref<10240x16xf32, #tpu.memory_space<vmem_shared>> -> memref<640x16xf32, #tpu.memory_space<vmem_shared>>
      tpu.wait_dma2 semaphore(%run_scoped3A_21 : memref<!tpu.dma_semaphore, #tpu.memory_space<semaphore_mem>>) src(%dma_wait3A_29 : memref<640x16xf32, #tpu.memory_space<vmem_shared>>) dst(%dma_wait3A_27 : memref<640x16xf32, #tpu.memory_space<hbm>>)
      tpu.yield
    }) : () -> ()
    return
  }
}

#map = affine_map<(d0, d1) -> (0, 0)>
#map1 = affine_map<(d0, d1) -> (0)>
module attributes {stable_mosaic.version = 14 : i64} {
  func.func @_edge_body(%arg0: i32, %arg1: i32, %arg2: memref<10240x128xf32, #tpu.memory_space<hbm>>, %arg3: memref<2x320000xi32, #tpu.memory_space<hbm>>, %arg4: memref<640x32xf32, #tpu.memory_space<hbm>>, %arg5: memref<480xi32, #tpu.memory_space<hbm>>, %arg6: memref<480xi32, #tpu.memory_space<hbm>>, %arg7: memref<10240x64xf32, #tpu.memory_space<hbm>>, %arg8: memref<20480xi32, #tpu.memory_space<vmem>>, %arg9: memref<20480xi32, #tpu.memory_space<vmem>>, %arg10: memref<128x32xf32, #tpu.memory_space<vmem>>, %arg11: memref<128x32xf32, #tpu.memory_space<vmem>>, %arg12: memref<640x32xf32, #tpu.memory_space<vmem>>, %arg13: memref<10240x32xf32, #tpu.memory_space<vmem_shared>>, %arg14: memref<10240x32xf32, #tpu.memory_space<vmem_shared>>, %arg15: memref<!tpu.dma_semaphore, #tpu.memory_space<semaphore_mem>>, %arg16: memref<!tpu.dma_semaphore, #tpu.memory_space<semaphore_mem>>) attributes {dimension_semantics = [#tpu.dimension_semantics<core_parallel>, #tpu.dimension_semantics<subcore_parallel>], iteration_bounds = array<i64: 2, 16>, scalar_prefetch = 0 : i64, scratch_operands = 9 : i64, tpu.core_type = #tpu.core_type<sc_vector_subcore>, window_params = [{transform_indices = #map}, {transform_indices = #map}, {transform_indices = #map}, {transform_indices = #map1}, {transform_indices = #map1}, {transform_indices = #map}]} {
    %mul3A = arith.constant 20000 : i32
    %mul3A_0 = arith.muli %arg1, %mul3A : i32
    %run_scoped3A = arith.constant 0 : i32
    "tpu.region"() ({
      %run_scoped3A_28 = tpu.sem_alloc : memref<!tpu.dma_semaphore, #tpu.memory_space<semaphore_mem>>
      %dma_start3A_29 = arith.constant 0 : i32
      %dma_start3A_30 = tpu.memref_slice %arg8[%dma_start3A_29] : memref<20480xi32, #tpu.memory_space<vmem>> -> memref<20000xi32, #tpu.memory_space<vmem>>
      %dma_start3A_31 = tpu.memref_slice %arg3[%run_scoped3A, %mul3A_0] : memref<2x320000xi32, #tpu.memory_space<hbm>> -> memref<1x20000xi32, #tpu.memory_space<hbm>>
      %dma_start3A_32 = tpu.memref_squeeze %dma_start3A_31 : memref<1x20000xi32, #tpu.memory_space<hbm>> -> memref<20000xi32, #tpu.memory_space<hbm>>
      %dma_start3A_33 = arith.constant 0 : i32
      %dma_start3A_34 = tpu.memref_slice %arg8[%dma_start3A_33] : memref<20480xi32, #tpu.memory_space<vmem>> -> memref<20000xi32, #tpu.memory_space<vmem>>
      %dma_start3A_35 = tpu.memref_slice %arg3[%run_scoped3A, %mul3A_0] : memref<2x320000xi32, #tpu.memory_space<hbm>> -> memref<1x20000xi32, #tpu.memory_space<hbm>>
      %dma_start3A_36 = tpu.memref_squeeze %dma_start3A_35 : memref<1x20000xi32, #tpu.memory_space<hbm>> -> memref<20000xi32, #tpu.memory_space<hbm>>
      tpu.enqueue_dma source(%dma_start3A_36 : memref<20000xi32, #tpu.memory_space<hbm>>) target(%dma_start3A_34 : memref<20000xi32, #tpu.memory_space<vmem>>) target_semaphore(%run_scoped3A_28 : memref<!tpu.dma_semaphore, #tpu.memory_space<semaphore_mem>>)
      %dma_wait3A = arith.constant 0 : i32
      %dma_wait3A_37 = tpu.memref_slice %arg8[%dma_wait3A] : memref<20480xi32, #tpu.memory_space<vmem>> -> memref<20000xi32, #tpu.memory_space<vmem>>
      %dma_wait3A_38 = tpu.memref_slice %arg3[%run_scoped3A, %mul3A_0] : memref<2x320000xi32, #tpu.memory_space<hbm>> -> memref<1x20000xi32, #tpu.memory_space<hbm>>
      %dma_wait3A_39 = tpu.memref_squeeze %dma_wait3A_38 : memref<1x20000xi32, #tpu.memory_space<hbm>> -> memref<20000xi32, #tpu.memory_space<hbm>>
      %dma_wait3A_40 = arith.constant 0 : i32
      %dma_wait3A_41 = tpu.memref_slice %arg8[%dma_wait3A_40] : memref<20480xi32, #tpu.memory_space<vmem>> -> memref<20000xi32, #tpu.memory_space<vmem>>
      %dma_wait3A_42 = tpu.memref_slice %arg3[%run_scoped3A, %mul3A_0] : memref<2x320000xi32, #tpu.memory_space<hbm>> -> memref<1x20000xi32, #tpu.memory_space<hbm>>
      %dma_wait3A_43 = tpu.memref_squeeze %dma_wait3A_42 : memref<1x20000xi32, #tpu.memory_space<hbm>> -> memref<20000xi32, #tpu.memory_space<hbm>>
      tpu.wait_dma2 semaphore(%run_scoped3A_28 : memref<!tpu.dma_semaphore, #tpu.memory_space<semaphore_mem>>) src(%dma_wait3A_43 : memref<20000xi32, #tpu.memory_space<hbm>>) dst(%dma_wait3A_41 : memref<20000xi32, #tpu.memory_space<vmem>>)
      tpu.yield
    }) : () -> ()
    "tpu.region"() ({
      %run_scoped3A_28 = tpu.sem_alloc : memref<!tpu.dma_semaphore, #tpu.memory_space<semaphore_mem>>
      %dma_start3A_29 = arith.constant 20000 : i32
      %dma_start3A_30 = tpu.memref_slice %arg8[%dma_start3A_29] : memref<20480xi32, #tpu.memory_space<vmem>> -> memref<480xi32, #tpu.memory_space<vmem>>
      %dma_start3A_31 = arith.constant 20000 : i32
      %dma_start3A_32 = tpu.memref_slice %arg8[%dma_start3A_31] : memref<20480xi32, #tpu.memory_space<vmem>> -> memref<480xi32, #tpu.memory_space<vmem>>
      tpu.enqueue_dma source(%arg5 : memref<480xi32, #tpu.memory_space<hbm>>) target(%dma_start3A_32 : memref<480xi32, #tpu.memory_space<vmem>>) target_semaphore(%run_scoped3A_28 : memref<!tpu.dma_semaphore, #tpu.memory_space<semaphore_mem>>)
      %dma_wait3A = arith.constant 20000 : i32
      %dma_wait3A_33 = tpu.memref_slice %arg8[%dma_wait3A] : memref<20480xi32, #tpu.memory_space<vmem>> -> memref<480xi32, #tpu.memory_space<vmem>>
      %dma_wait3A_34 = arith.constant 20000 : i32
      %dma_wait3A_35 = tpu.memref_slice %arg8[%dma_wait3A_34] : memref<20480xi32, #tpu.memory_space<vmem>> -> memref<480xi32, #tpu.memory_space<vmem>>
      tpu.wait_dma2 semaphore(%run_scoped3A_28 : memref<!tpu.dma_semaphore, #tpu.memory_space<semaphore_mem>>) src(%arg5 : memref<480xi32, #tpu.memory_space<hbm>>) dst(%dma_wait3A_35 : memref<480xi32, #tpu.memory_space<vmem>>)
      tpu.yield
    }) : () -> ()
    %mul3A_1 = arith.constant 20000 : i32
    %mul3A_2 = arith.muli %arg1, %mul3A_1 : i32
    %run_scoped3A_3 = arith.constant 1 : i32
    "tpu.region"() ({
      %run_scoped3A_28 = tpu.sem_alloc : memref<!tpu.dma_semaphore, #tpu.memory_space<semaphore_mem>>
      %dma_start3A_29 = arith.constant 0 : i32
      %dma_start3A_30 = tpu.memref_slice %arg9[%dma_start3A_29] : memref<20480xi32, #tpu.memory_space<vmem>> -> memref<20000xi32, #tpu.memory_space<vmem>>
      %dma_start3A_31 = tpu.memref_slice %arg3[%run_scoped3A_3, %mul3A_2] : memref<2x320000xi32, #tpu.memory_space<hbm>> -> memref<1x20000xi32, #tpu.memory_space<hbm>>
      %dma_start3A_32 = tpu.memref_squeeze %dma_start3A_31 : memref<1x20000xi32, #tpu.memory_space<hbm>> -> memref<20000xi32, #tpu.memory_space<hbm>>
      %dma_start3A_33 = arith.constant 0 : i32
      %dma_start3A_34 = tpu.memref_slice %arg9[%dma_start3A_33] : memref<20480xi32, #tpu.memory_space<vmem>> -> memref<20000xi32, #tpu.memory_space<vmem>>
      %dma_start3A_35 = tpu.memref_slice %arg3[%run_scoped3A_3, %mul3A_2] : memref<2x320000xi32, #tpu.memory_space<hbm>> -> memref<1x20000xi32, #tpu.memory_space<hbm>>
      %dma_start3A_36 = tpu.memref_squeeze %dma_start3A_35 : memref<1x20000xi32, #tpu.memory_space<hbm>> -> memref<20000xi32, #tpu.memory_space<hbm>>
      tpu.enqueue_dma source(%dma_start3A_36 : memref<20000xi32, #tpu.memory_space<hbm>>) target(%dma_start3A_34 : memref<20000xi32, #tpu.memory_space<vmem>>) target_semaphore(%run_scoped3A_28 : memref<!tpu.dma_semaphore, #tpu.memory_space<semaphore_mem>>)
      %dma_wait3A = arith.constant 0 : i32
      %dma_wait3A_37 = tpu.memref_slice %arg9[%dma_wait3A] : memref<20480xi32, #tpu.memory_space<vmem>> -> memref<20000xi32, #tpu.memory_space<vmem>>
      %dma_wait3A_38 = tpu.memref_slice %arg3[%run_scoped3A_3, %mul3A_2] : memref<2x320000xi32, #tpu.memory_space<hbm>> -> memref<1x20000xi32, #tpu.memory_space<hbm>>
      %dma_wait3A_39 = tpu.memref_squeeze %dma_wait3A_38 : memref<1x20000xi32, #tpu.memory_space<hbm>> -> memref<20000xi32, #tpu.memory_space<hbm>>
      %dma_wait3A_40 = arith.constant 0 : i32
      %dma_wait3A_41 = tpu.memref_slice %arg9[%dma_wait3A_40] : memref<20480xi32, #tpu.memory_space<vmem>> -> memref<20000xi32, #tpu.memory_space<vmem>>
      %dma_wait3A_42 = tpu.memref_slice %arg3[%run_scoped3A_3, %mul3A_2] : memref<2x320000xi32, #tpu.memory_space<hbm>> -> memref<1x20000xi32, #tpu.memory_space<hbm>>
      %dma_wait3A_43 = tpu.memref_squeeze %dma_wait3A_42 : memref<1x20000xi32, #tpu.memory_space<hbm>> -> memref<20000xi32, #tpu.memory_space<hbm>>
      tpu.wait_dma2 semaphore(%run_scoped3A_28 : memref<!tpu.dma_semaphore, #tpu.memory_space<semaphore_mem>>) src(%dma_wait3A_43 : memref<20000xi32, #tpu.memory_space<hbm>>) dst(%dma_wait3A_41 : memref<20000xi32, #tpu.memory_space<vmem>>)
      tpu.yield
    }) : () -> ()
    "tpu.region"() ({
      %run_scoped3A_28 = tpu.sem_alloc : memref<!tpu.dma_semaphore, #tpu.memory_space<semaphore_mem>>
      %dma_start3A_29 = arith.constant 20000 : i32
      %dma_start3A_30 = tpu.memref_slice %arg9[%dma_start3A_29] : memref<20480xi32, #tpu.memory_space<vmem>> -> memref<480xi32, #tpu.memory_space<vmem>>
      %dma_start3A_31 = arith.constant 20000 : i32
      %dma_start3A_32 = tpu.memref_slice %arg9[%dma_start3A_31] : memref<20480xi32, #tpu.memory_space<vmem>> -> memref<480xi32, #tpu.memory_space<vmem>>
      tpu.enqueue_dma source(%arg6 : memref<480xi32, #tpu.memory_space<hbm>>) target(%dma_start3A_32 : memref<480xi32, #tpu.memory_space<vmem>>) target_semaphore(%run_scoped3A_28 : memref<!tpu.dma_semaphore, #tpu.memory_space<semaphore_mem>>)
      %dma_wait3A = arith.constant 20000 : i32
      %dma_wait3A_33 = tpu.memref_slice %arg9[%dma_wait3A] : memref<20480xi32, #tpu.memory_space<vmem>> -> memref<480xi32, #tpu.memory_space<vmem>>
      %dma_wait3A_34 = arith.constant 20000 : i32
      %dma_wait3A_35 = tpu.memref_slice %arg9[%dma_wait3A_34] : memref<20480xi32, #tpu.memory_space<vmem>> -> memref<480xi32, #tpu.memory_space<vmem>>
      tpu.wait_dma2 semaphore(%run_scoped3A_28 : memref<!tpu.dma_semaphore, #tpu.memory_space<semaphore_mem>>) src(%arg6 : memref<480xi32, #tpu.memory_space<hbm>>) dst(%dma_wait3A_35 : memref<480xi32, #tpu.memory_space<vmem>>)
      tpu.yield
    }) : () -> ()
    "tpu.region"() ({
      %run_scoped3A_28 = tpu.sem_alloc : memref<!tpu.dma_semaphore, #tpu.memory_space<semaphore_mem>>
      tpu.enqueue_dma source(%arg4 : memref<640x32xf32, #tpu.memory_space<hbm>>) target(%arg12 : memref<640x32xf32, #tpu.memory_space<vmem>>) target_semaphore(%run_scoped3A_28 : memref<!tpu.dma_semaphore, #tpu.memory_space<semaphore_mem>>)
      tpu.wait_dma2 semaphore(%run_scoped3A_28 : memref<!tpu.dma_semaphore, #tpu.memory_space<semaphore_mem>>) src(%arg4 : memref<640x32xf32, #tpu.memory_space<hbm>>) dst(%arg12 : memref<640x32xf32, #tpu.memory_space<vmem>>)
      tpu.yield
    }) : () -> ()
    %mul3A_4 = arith.constant 640 : i32
    %mul3A_5 = arith.muli %arg1, %mul3A_4 : i32
    "tpu.region"() ({
      %run_scoped3A_28 = tpu.sem_alloc : memref<!tpu.dma_semaphore, #tpu.memory_space<semaphore_mem>>
      %dma_start3A_29 = arith.constant 0 : i32
      %dma_start3A_30 = tpu.memref_slice %arg14[%mul3A_5, %dma_start3A_29] : memref<10240x32xf32, #tpu.memory_space<vmem_shared>> -> memref<640x32xf32, #tpu.memory_space<vmem_shared>>
      %dma_start3A_31 = arith.constant 0 : i32
      %dma_start3A_32 = tpu.memref_slice %arg14[%mul3A_5, %dma_start3A_31] : memref<10240x32xf32, #tpu.memory_space<vmem_shared>> -> memref<640x32xf32, #tpu.memory_space<vmem_shared>>
      tpu.enqueue_dma source(%arg12 : memref<640x32xf32, #tpu.memory_space<vmem>>) target(%dma_start3A_32 : memref<640x32xf32, #tpu.memory_space<vmem_shared>>) target_semaphore(%run_scoped3A_28 : memref<!tpu.dma_semaphore, #tpu.memory_space<semaphore_mem>>)
      %dma_wait3A = arith.constant 0 : i32
      %dma_wait3A_33 = tpu.memref_slice %arg14[%mul3A_5, %dma_wait3A] : memref<10240x32xf32, #tpu.memory_space<vmem_shared>> -> memref<640x32xf32, #tpu.memory_space<vmem_shared>>
      %dma_wait3A_34 = arith.constant 0 : i32
      %dma_wait3A_35 = tpu.memref_slice %arg14[%mul3A_5, %dma_wait3A_34] : memref<10240x32xf32, #tpu.memory_space<vmem_shared>> -> memref<640x32xf32, #tpu.memory_space<vmem_shared>>
      tpu.wait_dma2 semaphore(%run_scoped3A_28 : memref<!tpu.dma_semaphore, #tpu.memory_space<semaphore_mem>>) src(%arg12 : memref<640x32xf32, #tpu.memory_space<vmem>>) dst(%dma_wait3A_35 : memref<640x32xf32, #tpu.memory_space<vmem_shared>>)
      tpu.yield
    }) : () -> ()
    %mul3A_6 = arith.constant 640 : i32
    %mul3A_7 = arith.muli %arg1, %mul3A_6 : i32
    %mul3A_8 = arith.constant 32 : i32
    %mul3A_9 = arith.muli %mul3A_8, %arg0 : i32
    "tpu.region"() ({
      %run_scoped3A_28 = tpu.sem_alloc : memref<!tpu.dma_semaphore, #tpu.memory_space<semaphore_mem>>
      %dma_start3A_29 = tpu.memref_slice %arg2[%mul3A_7, %mul3A_9] : memref<10240x128xf32, #tpu.memory_space<hbm>> -> memref<640x32xf32, #tpu.memory_space<hbm>>
      %dma_start3A_30 = tpu.memref_slice %arg2[%mul3A_7, %mul3A_9] : memref<10240x128xf32, #tpu.memory_space<hbm>> -> memref<640x32xf32, #tpu.memory_space<hbm>>
      tpu.enqueue_dma source(%dma_start3A_30 : memref<640x32xf32, #tpu.memory_space<hbm>>) target(%arg12 : memref<640x32xf32, #tpu.memory_space<vmem>>) target_semaphore(%run_scoped3A_28 : memref<!tpu.dma_semaphore, #tpu.memory_space<semaphore_mem>>)
      %dma_wait3A = tpu.memref_slice %arg2[%mul3A_7, %mul3A_9] : memref<10240x128xf32, #tpu.memory_space<hbm>> -> memref<640x32xf32, #tpu.memory_space<hbm>>
      %dma_wait3A_31 = tpu.memref_slice %arg2[%mul3A_7, %mul3A_9] : memref<10240x128xf32, #tpu.memory_space<hbm>> -> memref<640x32xf32, #tpu.memory_space<hbm>>
      tpu.wait_dma2 semaphore(%run_scoped3A_28 : memref<!tpu.dma_semaphore, #tpu.memory_space<semaphore_mem>>) src(%dma_wait3A_31 : memref<640x32xf32, #tpu.memory_space<hbm>>) dst(%arg12 : memref<640x32xf32, #tpu.memory_space<vmem>>)
      tpu.yield
    }) : () -> ()
    %mul3A_10 = arith.constant 640 : i32
    %mul3A_11 = arith.muli %arg1, %mul3A_10 : i32
    "tpu.region"() ({
      %run_scoped3A_28 = tpu.sem_alloc : memref<!tpu.dma_semaphore, #tpu.memory_space<semaphore_mem>>
      %dma_start3A_29 = arith.constant 0 : i32
      %dma_start3A_30 = tpu.memref_slice %arg13[%mul3A_11, %dma_start3A_29] : memref<10240x32xf32, #tpu.memory_space<vmem_shared>> -> memref<640x32xf32, #tpu.memory_space<vmem_shared>>
      %dma_start3A_31 = arith.constant 0 : i32
      %dma_start3A_32 = tpu.memref_slice %arg13[%mul3A_11, %dma_start3A_31] : memref<10240x32xf32, #tpu.memory_space<vmem_shared>> -> memref<640x32xf32, #tpu.memory_space<vmem_shared>>
      tpu.enqueue_dma source(%arg12 : memref<640x32xf32, #tpu.memory_space<vmem>>) target(%dma_start3A_32 : memref<640x32xf32, #tpu.memory_space<vmem_shared>>) target_semaphore(%run_scoped3A_28 : memref<!tpu.dma_semaphore, #tpu.memory_space<semaphore_mem>>)
      %dma_wait3A = arith.constant 0 : i32
      %dma_wait3A_33 = tpu.memref_slice %arg13[%mul3A_11, %dma_wait3A] : memref<10240x32xf32, #tpu.memory_space<vmem_shared>> -> memref<640x32xf32, #tpu.memory_space<vmem_shared>>
      %dma_wait3A_34 = arith.constant 0 : i32
      %dma_wait3A_35 = tpu.memref_slice %arg13[%mul3A_11, %dma_wait3A_34] : memref<10240x32xf32, #tpu.memory_space<vmem_shared>> -> memref<640x32xf32, #tpu.memory_space<vmem_shared>>
      tpu.wait_dma2 semaphore(%run_scoped3A_28 : memref<!tpu.dma_semaphore, #tpu.memory_space<semaphore_mem>>) src(%arg12 : memref<640x32xf32, #tpu.memory_space<vmem>>) dst(%dma_wait3A_35 : memref<640x32xf32, #tpu.memory_space<vmem_shared>>)
      tpu.yield
    }) : () -> ()
    %barrier3A = arith.constant 0 : index
    tpu.barrier barrier_id(%barrier3A)
    %dma_start3A = arith.constant 0 : i32
    %dma_start3A_12 = tpu.memref_slice %arg8[%dma_start3A] : memref<20480xi32, #tpu.memory_space<vmem>> -> memref<128xi32, #tpu.memory_space<vmem>>
    %dma_start3A_13 = arith.constant 0 : i32
    %dma_start3A_14 = arith.constant 0 : i32
    %dma_start3A_15 = tpu.memref_slice %arg13[%dma_start3A_13, %dma_start3A_14] : memref<10240x32xf32, #tpu.memory_space<vmem_shared>> -> memref<10240x32xf32, #tpu.memory_space<vmem_shared>>
    tpu.enqueue_indirect_dma source(%dma_start3A_15 : memref<10240x32xf32, #tpu.memory_space<vmem_shared>>) target(%arg10 : memref<128x32xf32, #tpu.memory_space<vmem>>) offsets(%dma_start3A_12 : memref<128xi32, #tpu.memory_space<vmem>>) semaphore(%arg15 : memref<!tpu.dma_semaphore, #tpu.memory_space<semaphore_mem>>)
    %scan3A = arith.constant 0 : i32
    %scan3A_16 = arith.constant 0 : i32
    %scan3A_17 = arith.constant 80 : i32
    %scan3A_18 = arith.addi %scan3A_16, %scan3A_17 : i32
    %scan3A_19 = arith.constant 1 : i32
    scf.for %scan3A_28 = %scan3A_16 to %scan3A_18 step %scan3A_19  : i32 {
      %mul3A_29 = arith.constant 2 : i32
      %mul3A_30 = arith.muli %mul3A_29, %scan3A_28 : i32
      %mul3A_31 = arith.constant 128 : i32
      %mul3A_32 = arith.muli %mul3A_30, %mul3A_31 : i32
      %add3A = arith.constant 128 : i32
      %add3A_33 = arith.addi %mul3A_32, %add3A : i32
      %dma_start3A_34 = tpu.memref_slice %arg8[%add3A_33] : memref<20480xi32, #tpu.memory_space<vmem>> -> memref<128xi32, #tpu.memory_space<vmem>>
      %dma_start3A_35 = arith.constant 0 : i32
      %dma_start3A_36 = arith.constant 0 : i32
      %dma_start3A_37 = tpu.memref_slice %arg13[%dma_start3A_35, %dma_start3A_36] : memref<10240x32xf32, #tpu.memory_space<vmem_shared>> -> memref<10240x32xf32, #tpu.memory_space<vmem_shared>>
      tpu.enqueue_indirect_dma source(%dma_start3A_37 : memref<10240x32xf32, #tpu.memory_space<vmem_shared>>) target(%arg11 : memref<128x32xf32, #tpu.memory_space<vmem>>) offsets(%dma_start3A_34 : memref<128xi32, #tpu.memory_space<vmem>>) semaphore(%arg16 : memref<!tpu.dma_semaphore, #tpu.memory_space<semaphore_mem>>)
      %dma_wait3A = tpu.memref_slice %arg8[%mul3A_32] : memref<20480xi32, #tpu.memory_space<vmem>> -> memref<128xi32, #tpu.memory_space<vmem>>
      %dma_wait3A_38 = arith.constant 0 : i32
      %dma_wait3A_39 = arith.constant 0 : i32
      %dma_wait3A_40 = tpu.memref_slice %arg13[%dma_wait3A_38, %dma_wait3A_39] : memref<10240x32xf32, #tpu.memory_space<vmem_shared>> -> memref<10240x32xf32, #tpu.memory_space<vmem_shared>>
      tpu.wait_indirect_dma semaphore(%arg15 : memref<!tpu.dma_semaphore, #tpu.memory_space<semaphore_mem>>) src(%dma_wait3A_40 : memref<10240x32xf32, #tpu.memory_space<vmem_shared>>) dst(%arg10 : memref<128x32xf32, #tpu.memory_space<vmem>>)
      "tpu.region"() ({
        %run_scoped3A_51 = tpu.sem_alloc : memref<!tpu.dma_semaphore, #tpu.memory_space<semaphore_mem>>
        %dma_start3A_52 = tpu.memref_slice %arg9[%mul3A_32] : memref<20480xi32, #tpu.memory_space<vmem>> -> memref<128xi32, #tpu.memory_space<vmem>>
        %dma_start3A_53 = arith.constant 0 : i32
        %dma_start3A_54 = arith.constant 0 : i32
        %dma_start3A_55 = tpu.memref_slice %arg14[%dma_start3A_53, %dma_start3A_54] : memref<10240x32xf32, #tpu.memory_space<vmem_shared>> -> memref<10240x32xf32, #tpu.memory_space<vmem_shared>>
        tpu.enqueue_indirect_dma source(%arg10 : memref<128x32xf32, #tpu.memory_space<vmem>>) target(%dma_start3A_55 : memref<10240x32xf32, #tpu.memory_space<vmem_shared>>) offsets(%dma_start3A_52 : memref<128xi32, #tpu.memory_space<vmem>>) semaphore(%run_scoped3A_51 : memref<!tpu.dma_semaphore, #tpu.memory_space<semaphore_mem>>) {add = true}
        %dma_wait3A_56 = tpu.memref_slice %arg9[%mul3A_32] : memref<20480xi32, #tpu.memory_space<vmem>> -> memref<128xi32, #tpu.memory_space<vmem>>
        %dma_wait3A_57 = arith.constant 0 : i32
        %dma_wait3A_58 = arith.constant 0 : i32
        %dma_wait3A_59 = tpu.memref_slice %arg14[%dma_wait3A_57, %dma_wait3A_58] : memref<10240x32xf32, #tpu.memory_space<vmem_shared>> -> memref<10240x32xf32, #tpu.memory_space<vmem_shared>>
        tpu.wait_indirect_dma semaphore(%run_scoped3A_51 : memref<!tpu.dma_semaphore, #tpu.memory_space<semaphore_mem>>) src(%arg10 : memref<128x32xf32, #tpu.memory_space<vmem>>) dst(%dma_wait3A_59 : memref<10240x32xf32, #tpu.memory_space<vmem_shared>>)
        tpu.yield
      }) : () -> ()
      %lt3A = arith.constant 79 : i32
      %lt3A_41 = arith.cmpi slt, %scan3A_28, %lt3A : i32
      %convert_element_type3A = arith.extui %lt3A_41 : i1 to i32
      %cond3A = arith.constant 0 : i32
      %cond3A_42 = arith.cmpi ne, %convert_element_type3A, %cond3A : i32
      scf.if %cond3A_42 {
        %add3A_51 = arith.constant 256 : i32
        %add3A_52 = arith.addi %mul3A_32, %add3A_51 : i32
        %dma_start3A_53 = tpu.memref_slice %arg8[%add3A_52] : memref<20480xi32, #tpu.memory_space<vmem>> -> memref<128xi32, #tpu.memory_space<vmem>>
        %dma_start3A_54 = arith.constant 0 : i32
        %dma_start3A_55 = arith.constant 0 : i32
        %dma_start3A_56 = tpu.memref_slice %arg13[%dma_start3A_54, %dma_start3A_55] : memref<10240x32xf32, #tpu.memory_space<vmem_shared>> -> memref<10240x32xf32, #tpu.memory_space<vmem_shared>>
        tpu.enqueue_indirect_dma source(%dma_start3A_56 : memref<10240x32xf32, #tpu.memory_space<vmem_shared>>) target(%arg10 : memref<128x32xf32, #tpu.memory_space<vmem>>) offsets(%dma_start3A_53 : memref<128xi32, #tpu.memory_space<vmem>>) semaphore(%arg15 : memref<!tpu.dma_semaphore, #tpu.memory_space<semaphore_mem>>)
      } else {
      }
      %add3A_43 = arith.constant 128 : i32
      %add3A_44 = arith.addi %mul3A_32, %add3A_43 : i32
      %dma_wait3A_45 = tpu.memref_slice %arg8[%add3A_44] : memref<20480xi32, #tpu.memory_space<vmem>> -> memref<128xi32, #tpu.memory_space<vmem>>
      %dma_wait3A_46 = arith.constant 0 : i32
      %dma_wait3A_47 = arith.constant 0 : i32
      %dma_wait3A_48 = tpu.memref_slice %arg13[%dma_wait3A_46, %dma_wait3A_47] : memref<10240x32xf32, #tpu.memory_space<vmem_shared>> -> memref<10240x32xf32, #tpu.memory_space<vmem_shared>>
      tpu.wait_indirect_dma semaphore(%arg16 : memref<!tpu.dma_semaphore, #tpu.memory_space<semaphore_mem>>) src(%dma_wait3A_48 : memref<10240x32xf32, #tpu.memory_space<vmem_shared>>) dst(%arg11 : memref<128x32xf32, #tpu.memory_space<vmem>>)
      %add3A_49 = arith.constant 128 : i32
      %add3A_50 = arith.addi %mul3A_32, %add3A_49 : i32
      "tpu.region"() ({
        %run_scoped3A_51 = tpu.sem_alloc : memref<!tpu.dma_semaphore, #tpu.memory_space<semaphore_mem>>
        %dma_start3A_52 = tpu.memref_slice %arg9[%add3A_50] : memref<20480xi32, #tpu.memory_space<vmem>> -> memref<128xi32, #tpu.memory_space<vmem>>
        %dma_start3A_53 = arith.constant 0 : i32
        %dma_start3A_54 = arith.constant 0 : i32
        %dma_start3A_55 = tpu.memref_slice %arg14[%dma_start3A_53, %dma_start3A_54] : memref<10240x32xf32, #tpu.memory_space<vmem_shared>> -> memref<10240x32xf32, #tpu.memory_space<vmem_shared>>
        tpu.enqueue_indirect_dma source(%arg11 : memref<128x32xf32, #tpu.memory_space<vmem>>) target(%dma_start3A_55 : memref<10240x32xf32, #tpu.memory_space<vmem_shared>>) offsets(%dma_start3A_52 : memref<128xi32, #tpu.memory_space<vmem>>) semaphore(%run_scoped3A_51 : memref<!tpu.dma_semaphore, #tpu.memory_space<semaphore_mem>>) {add = true}
        %dma_wait3A_56 = tpu.memref_slice %arg9[%add3A_50] : memref<20480xi32, #tpu.memory_space<vmem>> -> memref<128xi32, #tpu.memory_space<vmem>>
        %dma_wait3A_57 = arith.constant 0 : i32
        %dma_wait3A_58 = arith.constant 0 : i32
        %dma_wait3A_59 = tpu.memref_slice %arg14[%dma_wait3A_57, %dma_wait3A_58] : memref<10240x32xf32, #tpu.memory_space<vmem_shared>> -> memref<10240x32xf32, #tpu.memory_space<vmem_shared>>
        tpu.wait_indirect_dma semaphore(%run_scoped3A_51 : memref<!tpu.dma_semaphore, #tpu.memory_space<semaphore_mem>>) src(%arg11 : memref<128x32xf32, #tpu.memory_space<vmem>>) dst(%dma_wait3A_59 : memref<10240x32xf32, #tpu.memory_space<vmem_shared>>)
        tpu.yield
      }) : () -> ()
    }
    %scan3A_20 = arith.constant 80 : i32
    %barrier3A_21 = arith.constant 0 : index
    tpu.barrier barrier_id(%barrier3A_21)
    %mul3A_22 = arith.constant 640 : i32
    %mul3A_23 = arith.muli %arg1, %mul3A_22 : i32
    %mul3A_24 = arith.constant 640 : i32
    %mul3A_25 = arith.muli %arg1, %mul3A_24 : i32
    %mul3A_26 = arith.constant 32 : i32
    %mul3A_27 = arith.muli %mul3A_26, %arg0 : i32
    "tpu.region"() ({
      %run_scoped3A_28 = tpu.sem_alloc : memref<!tpu.dma_semaphore, #tpu.memory_space<semaphore_mem>>
      %dma_start3A_29 = tpu.memref_slice %arg7[%mul3A_25, %mul3A_27] : memref<10240x64xf32, #tpu.memory_space<hbm>> -> memref<640x32xf32, #tpu.memory_space<hbm>>
      %dma_start3A_30 = arith.constant 0 : i32
      %dma_start3A_31 = tpu.memref_slice %arg14[%mul3A_23, %dma_start3A_30] : memref<10240x32xf32, #tpu.memory_space<vmem_shared>> -> memref<640x32xf32, #tpu.memory_space<vmem_shared>>
      tpu.enqueue_dma source(%dma_start3A_31 : memref<640x32xf32, #tpu.memory_space<vmem_shared>>) target(%dma_start3A_29 : memref<640x32xf32, #tpu.memory_space<hbm>>) target_semaphore(%run_scoped3A_28 : memref<!tpu.dma_semaphore, #tpu.memory_space<semaphore_mem>>)
      %dma_wait3A = tpu.memref_slice %arg7[%mul3A_25, %mul3A_27] : memref<10240x64xf32, #tpu.memory_space<hbm>> -> memref<640x32xf32, #tpu.memory_space<hbm>>
      %dma_wait3A_32 = arith.constant 0 : i32
      %dma_wait3A_33 = tpu.memref_slice %arg14[%mul3A_23, %dma_wait3A_32] : memref<10240x32xf32, #tpu.memory_space<vmem_shared>> -> memref<640x32xf32, #tpu.memory_space<vmem_shared>>
      tpu.wait_dma2 semaphore(%run_scoped3A_28 : memref<!tpu.dma_semaphore, #tpu.memory_space<semaphore_mem>>) src(%dma_wait3A_33 : memref<640x32xf32, #tpu.memory_space<vmem_shared>>) dst(%dma_wait3A : memref<640x32xf32, #tpu.memory_space<hbm>>)
      tpu.yield
    }) : () -> ()
    return
  }
}

module attributes {stable_mosaic.version = 14 : i64} {
  func.func @_tc1_body(%arg0: i32, %arg1: memref<1024x128xf32, #tpu.memory_space<vmem>>, %arg2: memref<128x64xf32, #tpu.memory_space<vmem>>, %arg3: memref<2x1024x16xf32, #tpu.memory_space<vmem>>, %arg4: memref<1024x128xf32, #tpu.memory_space<vmem>>) attributes {dimension_semantics = [#tpu.dimension_semantics<arbitrary>], iteration_bounds = array<i64: 10>, scalar_prefetch = 0 : i64, scratch_operands = 0 : i64, tpu.core_type = #tpu.core_type<tc>, window_params = [{transform_indices = @transform_0, window_bounds = array<i64: 1024, 128>}, {pipeline_mode = #tpu.pipeline_mode<synchronous>, transform_indices = @transform_1, window_bounds = array<i64: 128, 64>}, {transform_indices = @transform_2, window_bounds = array<i64: 2, 1024, 16>}, {transform_indices = @transform_3, window_bounds = array<i64: 1024, 128>}]} {
    %iota3A = tpu.iota {dimensions = array<i32: 0>} : vector<1024x1xi32>
    %mul3A = arith.constant 1024 : i32
    %mul3A_0 = arith.muli %arg0, %mul3A : i32
    %add3A = vector.broadcast %mul3A_0 : i32 to vector<1024x1xi32>
    %add3A_1 = arith.addi %iota3A, %add3A : vector<1024x1xi32>
    %get3A = arith.constant 0 : index
    %get3A_2 = arith.constant 0 : index
    %get3A_3 = arith.constant 0 : index
    %get3A_4 = vector.load %arg3[%get3A, %get3A_2, %get3A_3] : memref<2x1024x16xf32, #tpu.memory_space<vmem>>, vector<1x1024x1xf32>
    %get3A_5 = vector.shape_cast %get3A_4 : vector<1x1024x1xf32> to vector<1024x1xf32>
    %get3A_6 = arith.constant 1 : index
    %get3A_7 = arith.constant 0 : index
    %get3A_8 = arith.constant 0 : index
    %get3A_9 = vector.load %arg3[%get3A_6, %get3A_7, %get3A_8] : memref<2x1024x16xf32, #tpu.memory_space<vmem>>, vector<1x1024x1xf32>
    %get3A_10 = vector.shape_cast %get3A_9 : vector<1x1024x1xf32> to vector<1024x1xf32>
    %add3A_11 = arith.addf %get3A_5, %get3A_10 : vector<1024x1xf32>
    %lt3A = arith.constant 10000 : i32
    %lt3A_12 = vector.broadcast %lt3A : i32 to vector<1024x1xi32>
    %lt3A_13 = arith.cmpi slt, %add3A_1, %lt3A_12 : vector<1024x1xi32>
    %jit3A = arith.constant 1.000000e+00 : f32
    %jit3A_14 = arith.constant 0.000000e+00 : f32
    %broadcast_in_dim3A = vector.broadcast %jit3A : f32 to vector<1024x1xf32>
    %broadcast_in_dim3A_15 = vector.broadcast %jit3A_14 : f32 to vector<1024x1xf32>
    %select_n3A = arith.select %lt3A_13, %broadcast_in_dim3A, %broadcast_in_dim3A_15 : vector<1024x1xi1>, vector<1024x1xf32>
    %add3A_16 = arith.addf %add3A_11, %select_n3A : vector<1024x1xf32>
    %gt3A = arith.constant 0.000000e+00 : f32
    %gt3A_17 = vector.broadcast %gt3A : f32 to vector<1024x1xf32>
    %gt3A_18 = arith.cmpf ogt, %add3A_16, %gt3A_17 : vector<1024x1xf32>
    %rsqrt3A = math.rsqrt %add3A_16 : vector<1024x1xf32>
    %jit3A_19 = arith.constant 0.000000e+00 : f32
    %broadcast_in_dim3A_20 = vector.broadcast %jit3A_19 : f32 to vector<1024x1xf32>
    %select_n3A_21 = arith.select %gt3A_18, %rsqrt3A, %broadcast_in_dim3A_20 : vector<1024x1xi1>, vector<1024x1xf32>
    %get3A_22 = arith.constant 0 : index
    %get3A_23 = arith.constant 0 : index
    %get3A_24 = vector.load %arg1[%get3A_22, %get3A_23] : memref<1024x128xf32, #tpu.memory_space<vmem>>, vector<1024x128xf32>
    %get3A_25 = arith.constant 0 : index
    %get3A_26 = arith.constant 0 : index
    %get3A_27 = vector.load %arg2[%get3A_25, %get3A_26] : memref<128x64xf32, #tpu.memory_space<vmem>>, vector<128x64xf32>
    %dot_general3A = arith.constant dense<0.000000e+00> : vector<1024x64xf32>
    %dot_general3A_28 = tpu.matmul %get3A_24, %get3A_27, %dot_general3A {dimension_numbers = #tpu.dot_dimension_numbers<[1], [0], [0], [1], [0, 0, 1, 1], [], []>, transpose_lhs_hint = false} : vector<1024x128xf32>, vector<128x64xf32>, vector<1024x64xf32> -> vector<1024x64xf32>
    %mul3A_29 = vector.broadcast %select_n3A_21 : vector<1024x1xf32> to vector<1024x64xf32>
    %mul3A_30 = arith.mulf %dot_general3A_28, %mul3A_29 : vector<1024x64xf32>
    %broadcast_in_dim3A_31 = vector.shape_cast %select_n3A_21 : vector<1024x1xf32> to vector<1024x1xf32>
    %broadcast_in_dim3A_32 = vector.broadcast %broadcast_in_dim3A_31 : vector<1024x1xf32> to vector<1024x64xf32>
    %concatenate3A = tpu.concatenate %mul3A_30, %broadcast_in_dim3A_32 in 1 : vector<1024x64xf32>, vector<1024x64xf32> -> vector<1024x128xf32>
    %swap3A = arith.constant 0 : index
    %swap3A_33 = arith.constant 0 : index
    %swap3A_34 = vector.load %arg4[%swap3A, %swap3A_33] : memref<1024x128xf32, #tpu.memory_space<vmem>>, vector<1024x128xf32>
    tpu.vector_store %arg4[%swap3A, %swap3A_33], %concatenate3A {strides = array<i32>} : memref<1024x128xf32, #tpu.memory_space<vmem>>, vector<1024x128xf32>,
    return
  }
  func.func @transform_0(%arg0: i32) -> (i32, i32) {
    %c0_i32 = arith.constant 0 : i32
    %c0_i32_0 = arith.constant 0 : i32
    return %arg0, %c0_i32 : i32, i32
  }
  func.func @transform_1(%arg0: i32) -> (i32, i32) {
    %c0_i32 = arith.constant 0 : i32
    %c0_i32_0 = arith.constant 0 : i32
    %c0_i32_1 = arith.constant 0 : i32
    return %c0_i32, %c0_i32_0 : i32, i32
  }
  func.func @transform_2(%arg0: i32) -> (i32, i32, i32) {
    %c0_i32 = arith.constant 0 : i32
    %c0_i32_0 = arith.constant 0 : i32
    %c0_i32_1 = arith.constant 0 : i32
    return %c0_i32, %arg0, %c0_i32_0 : i32, i32, i32
  }
  func.func @transform_3(%arg0: i32) -> (i32, i32) {
    %c0_i32 = arith.constant 0 : i32
    %c0_i32_0 = arith.constant 0 : i32
    return %arg0, %c0_i32 : i32, i32
  }
}

module attributes {stable_mosaic.version = 14 : i64} {
  func.func @_tc2_body(%arg0: i32, %arg1: memref<1024x64xf32, #tpu.memory_space<vmem>>, %arg2: memref<1024x128xf32, #tpu.memory_space<vmem>>, %arg3: memref<64x64xf32, #tpu.memory_space<vmem>>, %arg4: memref<1x64xf32, #tpu.memory_space<vmem>>, %arg5: memref<1024x128xf32, #tpu.memory_space<vmem>>) attributes {dimension_semantics = [#tpu.dimension_semantics<arbitrary>], iteration_bounds = array<i64: 10>, scalar_prefetch = 0 : i64, scratch_operands = 0 : i64, tpu.core_type = #tpu.core_type<tc>, window_params = [{transform_indices = @transform_0, window_bounds = array<i64: 1024, 64>}, {transform_indices = @transform_1, window_bounds = array<i64: 1024, 128>}, {pipeline_mode = #tpu.pipeline_mode<synchronous>, transform_indices = @transform_2, window_bounds = array<i64: 64, 64>}, {pipeline_mode = #tpu.pipeline_mode<synchronous>, transform_indices = @transform_3, window_bounds = array<i64: 1, 64>}, {transform_indices = @transform_4, window_bounds = array<i64: 1024, 128>}]} {
    %get3A = arith.constant 0 : index
    %get3A_0 = arith.constant 0 : index
    %get3A_1 = vector.load %arg2[%get3A, %get3A_0] : memref<1024x128xf32, #tpu.memory_space<vmem>>, vector<1024x64xf32>
    %get3A_2 = arith.constant 0 : index
    %get3A_3 = arith.constant 64 : index
    %get3A_4 = vector.load %arg2[%get3A_2, %get3A_3] : memref<1024x128xf32, #tpu.memory_space<vmem>>, vector<1024x64xf32>
    %get3A_5 = arith.constant 0 : index
    %get3A_6 = arith.constant 0 : index
    %get3A_7 = vector.load %arg1[%get3A_5, %get3A_6] : memref<1024x64xf32, #tpu.memory_space<vmem>>, vector<1024x64xf32>
    %add3A = arith.addf %get3A_7, %get3A_1 : vector<1024x64xf32>
    %mul3A = arith.mulf %get3A_4, %add3A : vector<1024x64xf32>
    %get3A_8 = arith.constant 0 : index
    %get3A_9 = arith.constant 0 : index
    %get3A_10 = vector.load %arg4[%get3A_8, %get3A_9] : memref<1x64xf32, #tpu.memory_space<vmem>>, vector<1x64xf32>
    %add3A_11 = vector.broadcast %get3A_10 : vector<1x64xf32> to vector<1024x64xf32>
    %add3A_12 = arith.addf %mul3A, %add3A_11 : vector<1024x64xf32>
    %max3A = arith.constant 0.000000e+00 : f32
    %max3A_13 = vector.broadcast %max3A : f32 to vector<1024x64xf32>
    %max3A_14 = arith.maximumf %add3A_12, %max3A_13 : vector<1024x64xf32>
    %get3A_15 = arith.constant 0 : index
    %get3A_16 = arith.constant 0 : index
    %get3A_17 = vector.load %arg3[%get3A_15, %get3A_16] : memref<64x64xf32, #tpu.memory_space<vmem>>, vector<64x64xf32>
    %dot_general3A = arith.constant dense<0.000000e+00> : vector<1024x64xf32>
    %dot_general3A_18 = tpu.matmul %max3A_14, %get3A_17, %dot_general3A {dimension_numbers = #tpu.dot_dimension_numbers<[1], [0], [0], [1], [0, 0, 1, 1], [], []>, transpose_lhs_hint = false} : vector<1024x64xf32>, vector<64x64xf32>, vector<1024x64xf32> -> vector<1024x64xf32>
    %mul3A_19 = arith.mulf %dot_general3A_18, %get3A_4 : vector<1024x64xf32>
    %concatenate3A = tpu.concatenate %mul3A_19, %get3A_4 in 1 : vector<1024x64xf32>, vector<1024x64xf32> -> vector<1024x128xf32>
    %swap3A = arith.constant 0 : index
    %swap3A_20 = arith.constant 0 : index
    %swap3A_21 = vector.load %arg5[%swap3A, %swap3A_20] : memref<1024x128xf32, #tpu.memory_space<vmem>>, vector<1024x128xf32>
    tpu.vector_store %arg5[%swap3A, %swap3A_20], %concatenate3A {strides = array<i32>} : memref<1024x128xf32, #tpu.memory_space<vmem>>, vector<1024x128xf32>,
    return
  }
  func.func @transform_0(%arg0: i32) -> (i32, i32) {
    %c0_i32 = arith.constant 0 : i32
    %c0_i32_0 = arith.constant 0 : i32
    return %arg0, %c0_i32 : i32, i32
  }
  func.func @transform_1(%arg0: i32) -> (i32, i32) {
    %c0_i32 = arith.constant 0 : i32
    %c0_i32_0 = arith.constant 0 : i32
    return %arg0, %c0_i32 : i32, i32
  }
  func.func @transform_2(%arg0: i32) -> (i32, i32) {
    %c0_i32 = arith.constant 0 : i32
    %c0_i32_0 = arith.constant 0 : i32
    %c0_i32_1 = arith.constant 0 : i32
    return %c0_i32, %c0_i32_0 : i32, i32
  }
  func.func @transform_3(%arg0: i32) -> (i32, i32) {
    %c0_i32 = arith.constant 0 : i32
    %c0_i32_0 = arith.constant 0 : i32
    %c0_i32_1 = arith.constant 0 : i32
    return %c0_i32, %c0_i32_0 : i32, i32
  }
  func.func @transform_4(%arg0: i32) -> (i32, i32) {
    %c0_i32 = arith.constant 0 : i32
    %c0_i32_0 = arith.constant 0 : i32
    return %arg0, %c0_i32 : i32, i32
  }
}

module attributes {stable_mosaic.version = 14 : i64} {
  func.func @_tc3_body(%arg0: i32, %arg1: memref<1000x64xf32, #tpu.memory_space<vmem>>, %arg2: memref<1000x128xf32, #tpu.memory_space<vmem>>, %arg3: memref<64x64xf32, #tpu.memory_space<vmem>>, %arg4: memref<1x64xf32, #tpu.memory_space<vmem>>, %arg5: memref<1x64xf32, #tpu.memory_space<vmem>>, %arg6: memref<1000x64xf32, #tpu.memory_space<vmem>>) attributes {dimension_semantics = [#tpu.dimension_semantics<arbitrary>], iteration_bounds = array<i64: 10>, scalar_prefetch = 0 : i64, scratch_operands = 0 : i64, tpu.core_type = #tpu.core_type<tc>, window_params = [{transform_indices = @transform_0, window_bounds = array<i64: 1000, 64>}, {transform_indices = @transform_1, window_bounds = array<i64: 1000, 128>}, {pipeline_mode = #tpu.pipeline_mode<synchronous>, transform_indices = @transform_2, window_bounds = array<i64: 64, 64>}, {pipeline_mode = #tpu.pipeline_mode<synchronous>, transform_indices = @transform_3, window_bounds = array<i64: 1, 64>}, {pipeline_mode = #tpu.pipeline_mode<synchronous>, transform_indices = @transform_4, window_bounds = array<i64: 1, 64>}, {transform_indices = @transform_5, window_bounds = array<i64: 1000, 64>}]} {
    %get3A = arith.constant 0 : index
    %get3A_0 = arith.constant 0 : index
    %get3A_1 = vector.load %arg2[%get3A, %get3A_0] : memref<1000x128xf32, #tpu.memory_space<vmem>>, vector<1000x64xf32>
    %get3A_2 = arith.constant 0 : index
    %get3A_3 = arith.constant 64 : index
    %get3A_4 = vector.load %arg2[%get3A_2, %get3A_3] : memref<1000x128xf32, #tpu.memory_space<vmem>>, vector<1000x64xf32>
    %get3A_5 = arith.constant 0 : index
    %get3A_6 = arith.constant 0 : index
    %get3A_7 = vector.load %arg1[%get3A_5, %get3A_6] : memref<1000x64xf32, #tpu.memory_space<vmem>>, vector<1000x64xf32>
    %add3A = arith.addf %get3A_7, %get3A_1 : vector<1000x64xf32>
    %mul3A = arith.mulf %get3A_4, %add3A : vector<1000x64xf32>
    %get3A_8 = arith.constant 0 : index
    %get3A_9 = arith.constant 0 : index
    %get3A_10 = vector.load %arg4[%get3A_8, %get3A_9] : memref<1x64xf32, #tpu.memory_space<vmem>>, vector<1x64xf32>
    %add3A_11 = vector.broadcast %get3A_10 : vector<1x64xf32> to vector<1000x64xf32>
    %add3A_12 = arith.addf %mul3A, %add3A_11 : vector<1000x64xf32>
    %max3A = arith.constant 0.000000e+00 : f32
    %max3A_13 = vector.broadcast %max3A : f32 to vector<1000x64xf32>
    %max3A_14 = arith.maximumf %add3A_12, %max3A_13 : vector<1000x64xf32>
    %get3A_15 = arith.constant 0 : index
    %get3A_16 = arith.constant 0 : index
    %get3A_17 = vector.load %arg3[%get3A_15, %get3A_16] : memref<64x64xf32, #tpu.memory_space<vmem>>, vector<64x64xf32>
    %dot_general3A = arith.constant dense<0.000000e+00> : vector<1000x64xf32>
    %dot_general3A_18 = tpu.matmul %max3A_14, %get3A_17, %dot_general3A {dimension_numbers = #tpu.dot_dimension_numbers<[1], [0], [0], [1], [0, 0, 1, 1], [], []>, transpose_lhs_hint = false} : vector<1000x64xf32>, vector<64x64xf32>, vector<1000x64xf32> -> vector<1000x64xf32>
    %get3A_19 = arith.constant 0 : index
    %get3A_20 = arith.constant 0 : index
    %get3A_21 = vector.load %arg5[%get3A_19, %get3A_20] : memref<1x64xf32, #tpu.memory_space<vmem>>, vector<1x64xf32>
    %add3A_22 = vector.broadcast %get3A_21 : vector<1x64xf32> to vector<1000x64xf32>
    %add3A_23 = arith.addf %dot_general3A_18, %add3A_22 : vector<1000x64xf32>
    %swap3A = arith.constant 0 : index
    %swap3A_24 = arith.constant 0 : index
    %swap3A_25 = vector.load %arg6[%swap3A, %swap3A_24] : memref<1000x64xf32, #tpu.memory_space<vmem>>, vector<1000x64xf32>
    tpu.vector_store %arg6[%swap3A, %swap3A_24], %add3A_23 {strides = array<i32>} : memref<1000x64xf32, #tpu.memory_space<vmem>>, vector<1000x64xf32>,
    return
  }
  func.func @transform_0(%arg0: i32) -> (i32, i32) {
    %c0_i32 = arith.constant 0 : i32
    %c0_i32_0 = arith.constant 0 : i32
    return %arg0, %c0_i32 : i32, i32
  }
  func.func @transform_1(%arg0: i32) -> (i32, i32) {
    %c0_i32 = arith.constant 0 : i32
    %c0_i32_0 = arith.constant 0 : i32
    return %arg0, %c0_i32 : i32, i32
  }
  func.func @transform_2(%arg0: i32) -> (i32, i32) {
    %c0_i32 = arith.constant 0 : i32
    %c0_i32_0 = arith.constant 0 : i32
    %c0_i32_1 = arith.constant 0 : i32
    return %c0_i32, %c0_i32_0 : i32, i32
  }
  func.func @transform_3(%arg0: i32) -> (i32, i32) {
    %c0_i32 = arith.constant 0 : i32
    %c0_i32_0 = arith.constant 0 : i32
    %c0_i32_1 = arith.constant 0 : i32
    return %c0_i32, %c0_i32_0 : i32, i32
  }
  func.func @transform_4(%arg0: i32) -> (i32, i32) {
    %c0_i32 = arith.constant 0 : i32
    %c0_i32_0 = arith.constant 0 : i32
    %c0_i32_1 = arith.constant 0 : i32
    return %c0_i32, %c0_i32_0 : i32, i32
  }
  func.func @transform_5(%arg0: i32) -> (i32, i32) {
    %c0_i32 = arith.constant 0 : i32
    %c0_i32_0 = arith.constant 0 : i32
    return %arg0, %c0_i32 : i32, i32
  }
}

</mosaic_0001>

<sc_bundles>
// kernel: kernel.11.cloned.1.call-start
scs
__scs_entry_jumppad:
0x0: {  	(pc) =	sbr.rel $0x88, $3  }
0x1: {  	(tag) =	ssettag $0x0;
	lr =	simm.s32 $0x1  }
0x2: {  	[smem:$0x3F99] =	sst lr;
	_ =	strace $0xD0000000  }
0x3: {  	_ = 	snop  }
0x4: {  	_ = 	snop  }
0x5: {  	_ = 	snop  }
0x6: {  	_ = 	snop  }
0x7: {  	_ = 	snop  }
__scs_overlays_trampoline_lowered:
0x8: {  	[smem:$0x3FA8] =	sst s0  }
0x9: {  	[smem:$0x3FA9] =	sst s1  }
0xa: {  	[smem:$0x3FAA] =	sst s2  }
0xb: {  	[smem:$0x3FAB] =	sst s3  }
0xc: {  	[smem:$0x3FAC] =	sst s4  }
0xd: {  	[smem:$0x3FAD] =	sst s5  }
0xe: {  	[smem:$0x3FAE] =	sst s6  }
0xf: {  	[smem:$0x3FAF] =	sst s7  }
0x10: {  	[smem:$0x3FB0] =	sst s8  }
0x11: {  	[smem:$0x3FB1] =	sst s9;
	s0 =	simm.s32 @!p0 $0x0  }
0x12: {  	s1 =	sld [smem:$0x3F97];
	s0 =	simm.s32 @p0 $0x1  }
0x13: {  	[smem:$0x3FB2] =	sst s0;
	s0 =	simm.s32 @!p1 $0x0  }
0x14: {  	s2 =	sld [smem:$0x3F96];
	s0 =	simm.s32 @p1 $0x1  }
0x15: {  	[smem:$0x3FB3] =	sst s0;
	s0 =	simm.s32 @!p2 $0x0  }
0x16: {  	s3 =	sld [smem:$0x3FDB];
	s0 =	simm.s32 @p2 $0x1  }
0x17: {  	s4 =	simm.s32 $0x1BF5;
	[smem:$0x3FB5] =	sst s0  }
0x18: {  	s0 =	sld [smem:$0x3F98];
	_ =	swait.ge [sflag:s4], $0x0  }
0x19: {  	s7 =	sld [smem:$0x3F99]  }
0x1a: {  	s8 =	sadd.s32 $0xFFFFE003, lr  }
0x1b: {  	s9 =	sadd.s32 $0xFFFFFEF7, lr;
	s5 =	simm.s32 $0xFFFFFFFF;
	p2 =	slt.u32 s8, $0xFFFFF086  }
0x1c: {  	p1 =	slt.u32 s9, $0xF7A;
	s5 =	simm.s32 @!p2 $0x0  }
0x1d: {  	s5 =	simm.s32 @p1 $0x1;
	p0 =	seq.s32 s7, s2  }
0x1e: {  	s7 =	smul.u32 @!p0 $0xF7A, s2;
	p2 =	seq.s32 @!p0 s5, $0x0  }
0x1f: {  	s9 =	smul.u32 $0xF7A, s1;
	s8 =	simm.s32 @!p0 $0x1BF5;
	p2 =	por !p2, p0  }
0x20: {  	[sflag:s8] =	ssyncset.s32 @!p0 $0xFFFFF086;
	s6 =	sadd.s32 @!p0 s3, s7;
	s7 =	simm.s32 @!p0 $0x108  }
0x21: {  	s3 =	sadd.s32 s3, s9;
	s6 =	sadd.s32 @!p0 $0x88, s6;
	s7 =	simm.s32 @p2 $0x1082  }
0x22: {  	[simem:s7], [sflag:s8] =	dma.local @!p0 [hbm:s6], $0xF7A  }
0x23: {  	s9 =	sor.u32 $0xD0000000, s2;
	s6 =	simm.s32 $0x108;
	_ =	swait.ge @!p0 [sflag:s8], $0x0  }
0x24: {  	s3 =	sadd.s32 $0x88, s3;
	s6 =	simm.s32 @!p1 $0x1082;
	[sflag:s4] =	ssyncset.s32 $0xFFFFF086  }
0x25: {  	[simem:s6], [sflag:s4] =	dma.local [hbm:s3], $0xF7A  }
0x26: {  	[smem:$0x3F99] =	sst s1;
	(tag) =	ssettag s2;
	_ =	strace s9  }
0x27: {  	s1 =	sld [smem:$0x3FA9]  }
0x28: {  	s2 =	sld [smem:$0x3FAA]  }
0x29: {  	s4 =	sld [smem:$0x3FAC]  }
0x2a: {  	p0 =	seq.s32 s5, $0x0;
	s5 =	sld [smem:$0x3FAD]  }
0x2b: {  	s6 =	sld [smem:$0x3FAE]  }
0x2c: {  	s7 =	sld [smem:$0x3FAF]  }
0x2d: {  	s3 =	simm.s32 $0x108;
	s8 =	sld [smem:$0x3FB0]  }
0x2e: {  	s3 =	simm.s32 @!p0 $0x1082;
	s9 =	sld [smem:$0x3FB1]  }
0x2f: {  	lr =	sadd.s32 s0, s3;
	s0 =	sld [smem:$0x3FA8]  }
0x30: {  	s3 =	sld [smem:$0x3FAB]  }
0x31: {  	[smem:$0x3FB4] =	sst s10  }
0x32: {  	s10 =	sld [smem:$0x3FB2];
	_ =	sdelay $0x3  }
0x33: {  	p0 =	seq.s32 s10, $0x1;
	s10 =	sld [smem:$0x3FB4];
	_ =	sdelay $0x3  }
0x34: {  	[smem:$0x3FB4] =	sst s10  }
0x35: {  	s10 =	sld [smem:$0x3FB3];
	_ =	sdelay $0x3  }
0x36: {  	p1 =	seq.s32 s10, $0x1;
	s10 =	sld [smem:$0x3FB4];
	_ =	sdelay $0x3  }
0x37: {  	[smem:$0x3FB4] =	sst s10  }
0x38: {  	s10 =	sld [smem:$0x3FB5]  }
0x39: {  	_ = 	snop;
	(pc) =	sbr.ind lr, $3  }
0x3a: {  	_ = 	snop  }
0x3b: {  	_ = 	snop  }
0x3c: {  	p2 =	seq.s32 s10, $0x1;
	s10 =	sld [smem:$0x3FB4]  }
0x3d: {  	_ =	shalt  }
0x3e: {  	_ =	shalt  }
0x3f: {  	_ =	shalt  }
0x40: {  	_ =	shalt  }
0x41: {  	_ =	shalt  }
0x42: {  	_ =	shalt  }
0x43: {  	_ =	shalt  }
0x44: {  	_ =	shalt  }
0x45: {  	_ =	shalt  }
0x46: {  	_ =	shalt  }
0x47: {  	_ =	shalt  }
0x48: {  	_ =	shalt  }
0x49: {  	_ =	shalt  }
0x4a: {  	_ =	shalt  }
0x4b: {  	_ =	shalt  }
0x4c: {  	_ =	shalt  }
0x4d: {  	_ =	shalt  }
0x4e: {  	_ =	shalt  }
0x4f: {  	_ =	shalt  }
0x50: {  	_ =	shalt  }
0x51: {  	_ =	shalt  }
0x52: {  	_ =	shalt  }
0x53: {  	_ =	shalt  }
0x54: {  	_ =	shalt  }
0x55: {  	_ =	shalt  }
0x56: {  	_ =	shalt  }
0x57: {  	_ =	shalt  }
0x58: {  	_ =	shalt  }
0x59: {  	_ =	shalt  }
0x5a: {  	_ =	shalt  }
0x5b: {  	_ =	shalt  }
0x5c: {  	_ =	shalt  }
0x5d: {  	_ =	shalt  }
0x5e: {  	_ =	shalt  }
0x5f: {  	_ =	shalt  }
0x60: {  	_ =	shalt  }
0x61: {  	_ =	shalt  }
0x62: {  	_ =	shalt  }
0x63: {  	_ =	shalt  }
0x64: {  	_ =	shalt  }
0x65: {  	_ =	shalt  }
0x66: {  	_ =	shalt  }
0x67: {  	_ =	shalt  }
0x68: {  	_ =	shalt  }
0x69: {  	_ =	shalt  }
0x6a: {  	_ =	shalt  }
0x6b: {  	_ =	shalt  }
0x6c: {  	_ =	shalt  }
0x6d: {  	_ =	shalt  }
0x6e: {  	_ =	shalt  }
0x6f: {  	_ =	shalt  }
0x70: {  	_ =	shalt  }
0x71: {  	_ =	shalt  }
0x72: {  	_ =	shalt  }
0x73: {  	_ =	shalt  }
0x74: {  	_ =	shalt  }
0x75: {  	_ =	shalt  }
0x76: {  	_ =	shalt  }
0x77: {  	_ =	shalt  }
0x78: {  	_ =	shalt  }
0x79: {  	_ =	shalt  }
0x7a: {  	_ =	shalt  }
0x7b: {  	_ =	shalt  }
0x7c: {  	_ =	shalt  }
0x7d: {  	_ =	shalt  }
0x7e: {  	_ =	shalt  }
0x7f: {  	_ =	shalt  }
0x80: {  	_ =	shalt  }
0x81: {  	_ =	shalt  }
0x82: {  	_ =	shalt  }
0x83: {  	_ =	shalt  }
0x84: {  	_ =	shalt  }
0x85: {  	_ =	shalt  }
0x86: {  	_ =	shalt  }
0x87: {  	_ =	shalt  }
.Lfunc_end0:
.L_simem_size_0:
called_computation.1_lowered:
.L_overlay_start_0:
0x88: {  	s2 =	sld [smem:$0x3FD9]  }
0x89: {  	s3 =	sld [smem:$0x3FFE];
	_ =	sdelay $0x1  }
0x8a: {  	s1 =	srdreg.scid  }
0x8b: {  	s0 =	sand.u32 $0x1, s1  }
0x8c: {  	s17 =	sshll.u32 s0, $0xA;
	s2 =	sadd.s32 s3, s2  }
0x8d: {  	s2 =	sadd.s32 s2, s17  }
0x8e: {  	[smem:$0x3FC0] =	sst s2  }
0x8f: {  	_ = 	snop  }
0x90: {  	s2 =	sld [smem:$0x3FD0];
	(tm) =	ssettm $0x1  }
0x91: {  	s18 =	sld [smem:$0x3FFB];
	_ =	sdelay $0x3  }
0x92: {  	_ =	strace s18  }
0x93: {  	s3 =	sld [smem:$0x3FFC];
	_ =	sdelay $0x3  }
0x94: {  	_ =	strace s3  }
0x95: {  	s3 =	sld [smem:$0x3FFD];
	_ =	sdelay $0x3  }
0x96: {  	_ =	strace s3  }
0x97: {  	_ =	strace $0x8FFFFFFF  }
0x98: {  	s19 =	sld [smem:$0x3FDB];
	_ =	sdelay $0x1  }
0x99: {  	s4 =	simm.s32 $_scs_section_size  }
0x9a: {  	s5 =	simm.s32 $_size__tile_overlayer_lowered;
	s6 =	simm.s32 $_tile_overlayer_lowered  }
0x9b: {  	s22 =	simm.s32 $0x1BFF;
	s21 =	sshll.u32 s6, $0x1;
	s3 =	sadd.s32 s4, s19  }
0x9c: {  	s7 =	simm.s32 $0x0;
	s20 =	sshll.u32 s5, $0x1;
	s5 =	sadd.s32 s21, s3  }
0x9d: {  	[timem:s7], [sflag:s22] =	dma.local [hbm:s5], s20  }
0x9e: {  	_ =	swait.ge [sflag:s22], s20  }
0x9f: {  	s4 =	ssub.s32 $0x0, s20;
	[sflag:s22] =	ssyncset.done $0x0  }
0xa0: {  	[sflag:s22] =	ssyncadd.s32 s4;
	_ =	sdelay $0x1  }
0xa1: {  	s23 =	simm.s32 $0x1B8B  }
0xa2: {  	_ =	swait.ge [sflag:s23], $0x1  }
0xa3: {  	[sflag:s23] =	ssyncset.done $0x0  }
0xa4: {  	s25 =	simm.s32 $0x1B8E;
	s24 =	sld [smem:$0x3FFE];
	[sflag:s23] =	ssyncadd.s32 $0xFFFFFFFF  }
0xa5: {  	s26 =	simm.s32 $execute0_lowered;
	[smem:$0x3FD2] =	sst s25  }
0xa6: {  	s5 =	sshll.u32 s26, $0x1;
	_ =	strace $0x80000049;
	[dreg:$0x1] =	wrdreg $0xFFFFFFFF  }
0xa7: {  	s28 =	simm.s32 $_size_execute0_lowered;
	s3 =	sadd.s32 s3, s5;
	[dreg:$0x0] =	wrdreg $0x0  }
0xa8: {  	s5 =	sshll.u32 s28, $0x1;
	[dreg:$0x2] =	wrdreg s3  }
0xa9: {  	[dreg:$0x3] =	wrdreg s5  }
0xaa: {  	[dreg:$0x4] =	wrdreg $0xC0  }
0xab: {  	_ =	task [dreg:s7], $0x5FFFF  }
0xac: {  	[dreg:$0x1] =	wrdreg $0xFFFFFFFF  }
0xad: {  	[dreg:$0x0] =	wrdreg $0x60  }
0xae: {  	[dreg:$0x2] =	wrdreg s24  }
0xaf: {  	[dreg:$0x3] =	wrdreg s2  }
0xb0: {  	[dreg:$0x4] =	wrdreg $0x160000  }
0xb1: {  	[dreg:$0x5] =	wrdreg $0x110000  }
0xb2: {  	[dreg:$0x6] =	wrdreg $0x9  }
0xb3: {  	_ =	task.clear_ibuf [dreg:s7], $0x7FFFF;
	_ =	strace $0x90000049  }
0xb4: {  	s29 =	simm.s32 $0x9;
	_ =	strace $0x8000004B  }
0xb5: {  	_ =	swait.ge [sflag:s29], $0x1  }
0xb6: {  	[sflag:s29] =	ssyncadd.s32 $0xFFFFFFFF  }
0xb7: {  	_ =	strace $0x9000004B  }
0xb8: {  	_ =	sfence  }
0xb9: {  	s30 =	sld [smem:$0x0];
	_ =	sdelay $0x2  }
0xba: {  	s31 =	sshll.u32 s1, $0xD;
	s1 =	sshrl.u32 s1, $0x2  }
0xbb: {  	s3 =	sand.u32 $0x4000, s31;
	s1 =	sadd.s32 s1, s30  }
0xbc: {  	s0 =	sor.u32 s3, s0;
	s1 =	sshll.u32 s1, $0x11  }
0xbd: {  	s0 =	sor.u32 s1, s0  }
0xbe: {  	s0 =	sadd.s32 $0x8F2B, s0  }
0xbf: {  	[sflag:s0] =	ssyncadd.remote.s32 $0x1  }
0xc0: {  	_ =	sfence.sel $0xFFFF  }
0xc1: {  	[dreg:$0x0] =	wrdreg $0xFFFFFFFF;
	(pc) =	sbr.abs _section_cstart, $3  }
0xc2: {  	[dreg:$0x1] =	wrdreg $0xFFFFFFFF  }
0xc3: {  	_ =	task.clear_ibuf [dreg:s7], $0x2FFFF;
	_ =	strace $0x9FFFFFFF  }
0xc4: {  	(tm) =	ssettm $0x7FFFFFFF  }
0xc5: {  	_ =	shalt  }
tec
execute0_lowered:
.L_overlay_start_1:
0x0: {  	(tag) =	ssettag $0x1  }
0x1: {  	s0 =	rddreg [dreg:$0x0]  }
0x2: {  	s1 =	rddreg [dreg:$0x1];
	s3 =	srdreg.scid  }
0x3: {  	s13 =	stileid.u32;
	s2 =	rddreg [dreg:$0x2];
	s4 =	simm.s32 $0x0  }
0x4: {  	s15 =	simm.s32 $0x3;
	s19 =	simm.s32 $0xC000;
	s21 =	simm.s32 $0x80  }
0x5: {  	s22 =	simm.s32 $0xA000;
	s23 =	simm.s32 $0xB000;
	s28 =	simm.s32 $0x9F00  }
0x6: {  	s29 =	simm.s32 $0x9F80;
	s30 =	simm.s32 $0x8;
	s5 =	smul.u32 $0x14000, s13  }
0x7: {  	s8 =	sand.u32 $0x1, s3;
	s3 =	rddreg [dreg:$0x3];
	s7 =	smul.u32 $0xA000, s13  }
0x8: {  	s31 =	simm.s32 $0x4;
	[smem:$0x7FF] =	sst s4;
	s10 =	smul.u32 $0x4E20, s13  }
0x9: {  	s13 =	smul.u32 $0x5000, s13;
	s6 =	sshll.u32 s8, $0x5;
	_ =	strace $0x8000004A  }
0xa: {  	s12 =	ssub.s32 $0x2, s8;
	s5 =	sor.u32 s6, s5;
	s9 =	sor.u32 s6, s7  }
0xb: {  	s6 =	sadd.s32 $0x2C000, s0;
	s7 =	sadd.s32 $0x2BE00, s0;
	s24 =	sshrl.u32 s10, $0x3  }
0xc: {  	s25 =	sshrl.u32 s12, $0x1;
	s10 =	sadd.s32 s13, s2;
	s5 =	sshrl.u32 s5, $0x3  }
0xd: {  	s9 =	sshrl.u32 s9, $0x3;
	s8 =	sadd.s32 s1, s24;
	s26 =	ssub.s32 s12, s25  }
0xe: {  	s12 =	sadd.s32 s13, s3;
	s24 =	simm.s32 $0x1;
	s25 =	simm.s32 $0x2  }
0xf: {  	s1 =	simm.s32 $0x0;
	s11 =	sadd.s32 s5, s0;
	s5 =	sadd.s32 $0x2B400, s0  }
0x10: {  	s0 =	sadd.s32 s9, s0;
	s9 =	sadd.s32 $0x9C40, s8;
	s14 =	smax.u32 s26, $0x1  }
0x11: {  	s26 =	simm.s32 $0x4F80;
	s11 =	sadd.s32 $0x3400, s11;
	s13 =	sadd.s32 $0x2C200, s0  }
.LBB2_1:
0x12: {  	[tilespmem:s4], [sflag:$0x3] =	stream.linear.gather [hbm4b:s8+s4], $0x4E20, $0x38;
	[tilespmem:$0x1B000] =	vst v63  }
0x13: {  	_ =	swait.ge [sflag:s15], $0x4E20  }
0x14: {  	[sflag:s15] =	ssyncset.done $0x0  }
0x15: {  	s0 =	simm.s32 $0x4E20;
	[sflag:s15] =	ssyncadd.s32 $0xFFFFB1E0  }
0x16: {  	[tilespmem:s0], [sflag:$0x3] =	stream.linear.gather [hbm4b:s6+s4], $0x1E0, $0x38;
	[tilespmem:$0x1B000] =	vst v63  }
0x17: {  	_ =	swait.ge [sflag:s15], $0x1E0  }
0x18: {  	[sflag:s15] =	ssyncset.done $0x0  }
0x19: {  	s17 =	simm.s32 $0x5000;
	[sflag:s15] =	ssyncadd.s32 $0xFFFFFE20  }
0x1a: {  	[tilespmem:s17], [sflag:$0x3] =	stream.linear.gather [hbm4b:s9+s4], $0x4E20, $0x38;
	[tilespmem:$0x1B000] =	vst v63  }
0x1b: {  	_ =	swait.ge [sflag:s15], $0x4E20  }
0x1c: {  	[sflag:s15] =	ssyncset.done $0x0  }
0x1d: {  	s18 =	simm.s32 $0x9E20;
	[sflag:s15] =	ssyncadd.s32 $0xFFFFB1E0  }
0x1e: {  	[tilespmem:s18], [sflag:$0x3] =	stream.linear.gather [hbm4b:s7+s4], $0x1E0, $0x38;
	[tilespmem:$0x1B000] =	vst v63  }
0x1f: {  	_ =	swait.ge [sflag:s15], $0x1E0  }
0x20: {  	[sflag:s15] =	ssyncset.done $0x0  }
0x21: {  	[sflag:s15] =	ssyncadd.s32 $0xFFFFFE20  }
0x22: {  	[tilespmem:s19], [sflag:$0x3] =	stream.linear.gather [hbm4b:s5+s4], $0x5000, $0x38;
	[tilespmem:$0x1B000] =	vst v63  }
0x23: {  	_ =	swait.ge [sflag:s15], $0x5000  }
0x24: {  	[sflag:s15] =	ssyncset.done $0x0  }
0x25: {  	[sflag:s15] =	ssyncadd.s32 $0xFFFFB000  }
0x26: {  	[spmem:s10] =	stream.linear.scatter [tilespmem:s19], [sflag:$0x3], $0x5000, $0x38;
	[tilespmem:$0x1B000] =	vst v63  }
0x27: {  	_ =	swait.ge [sflag:s15], $0x5000  }
0x28: {  	[sflag:s15] =	ssyncset.done $0x0  }
0x29: {  	s20 =	simm.s32 $0x20;
	[sflag:s15] =	ssyncadd.s32 $0xFFFFB000  }
0x2a: {  	[tilespmem:s19], [sflag:$0x3] =	stream.strided.gather [hbm4b:s11+s20], $0x5000, s21, s20, $0x38;
	[tilespmem:$0x1B000] =	vst v63  }
0x2b: {  	_ =	swait.ge [sflag:s15], $0x5000  }
0x2c: {  	[sflag:s15] =	ssyncset.done $0x0  }
0x2d: {  	[sflag:s15] =	ssyncadd.s32 $0xFFFFB000  }
0x2e: {  	[spmem:s12] =	stream.linear.scatter [tilespmem:s19], [sflag:$0x3], $0x5000, $0x38;
	[tilespmem:$0x1B000] =	vst v63  }
0x2f: {  	_ =	swait.ge [sflag:s15], $0x5000  }
0x30: {  	[sflag:s15] =	ssyncset.done $0x0  }
0x31: {  	[sflag:s15] =	ssyncadd.s32 $0xFFFFB000  }
0x32: {  	[bflag:$0x0] =	sbarrier.arrive $0xFFFF  }
0x33: {  	[tilespmem:s22], [sflag:$0x1] =	stream.indirect.gather [spmem:s3], $0x20, s4, s21, $0xb8;
	[tilespmem:$0x1B000] =	vst v63  }
0x34: {  	s16 =	simm.s32 $0x80  }
0x35: {  	[tilespmem:s23], [sflag:$0x2] =	stream.indirect.gather [spmem:s3], $0x20, s16, s21, $0xb8;
	[tilespmem:$0x1B000] =	vst v63  }
0x36: {  	_ =	swait.ge [sflag:s24], $0x1000  }
0x37: {  	[sflag:s24] =	ssyncset.done $0x0  }
0x38: {  	s17 =	simm.s32 $0x5000;
	[sflag:s24] =	ssyncadd.s32 $0xFFFFF000  }
0x39: {  	[spmem:s2] =	stream.indirect.scatter.add.f32 [tilespmem:s22], [sflag:$0x3], $0x20, s17, s21, $0xb8;
	[tilespmem:$0x1B000] =	vst v63  }
0x3a: {  	_ =	swait.ge [sflag:s15], $0x1000  }
0x3b: {  	[sflag:s15] =	ssyncset.done $0x0  }
0x3c: {  	s18 =	simm.s32 $0x100;
	[sflag:s15] =	ssyncadd.s32 $0xFFFFF000  }
0x3d: {  	[tilespmem:s22], [sflag:$0x1] =	stream.indirect.gather [spmem:s3], $0x20, s18, s21, $0xb8;
	[tilespmem:$0x1B000] =	vst v63  }
0x3e: {  	_ =	swait.ge [sflag:s25], $0x1000  }
0x3f: {  	[sflag:s25] =	ssyncset.done $0x0  }
0x40: {  	s20 =	simm.s32 $0x5080;
	[sflag:s25] =	ssyncadd.s32 $0xFFFFF000  }
0x41: {  	[spmem:s2] =	stream.indirect.scatter.add.f32 [tilespmem:s23], [sflag:$0x3], $0x20, s20, s21, $0xb8;
	[tilespmem:$0x1B000] =	vst v63  }
0x42: {  	_ =	swait.ge [sflag:s15], $0x1000  }
0x43: {  	s0 =	simm.s32 $0x100;
	s16 =	simm.s32 $0x800;
	[sflag:s15] =	ssyncset.done $0x0  }
.LBB2_2:
0x44: {  	s17 =	sadd.s32 $0x80, s0  }
0x45: {  	[sflag:s15] =	ssyncadd.s32 $0xFFFFF000;
	s18 =	smov.u32 s16;
	s20 =	sadd.s32 $0x400, s16  }
0x46: {  	[tilespmem:s23], [sflag:$0x2] =	stream.indirect.gather [spmem:s3], $0x20, s17, s21, $0xb8;
	[tilespmem:$0x1B000] =	vst v63  }
0x47: {  	p0 =	sne.s32 s16, $0x13800;
	_ =	swait.ge [sflag:s24], $0x1000  }
0x48: {  	[sflag:s24] =	ssyncset.done $0x0  }
0x49: {  	s16 =	sadd.s32 $0x5000, s0;
	[sflag:s24] =	ssyncadd.s32 $0xFFFFF000  }
0x4a: {  	[spmem:s2] =	stream.indirect.scatter.add.f32 [tilespmem:s22], [sflag:$0x3], $0x20, s16, s21, $0xb8;
	[tilespmem:$0x1B000] =	vst v63  }
0x4b: {  	_ =	swait.ge [sflag:s15], $0x1000  }
0x4c: {  	[sflag:s15] =	ssyncset.done $0x0  }
0x4d: {  	s16 =	sadd.s32 $0x100, s0;
	[sflag:s15] =	ssyncadd.s32 $0xFFFFF000  }
0x4e: {  	[tilespmem:s22], [sflag:$0x1] =	stream.indirect.gather [spmem:s3], $0x20, s16, s21, $0xb8;
	[tilespmem:$0x1B000] =	vst v63  }
0x4f: {  	_ =	swait.ge [sflag:s25], $0x1000  }
.Ltmp0:
0x50: {  	[sflag:s25] =	ssyncset.done $0x0;
	(pc) =	sbr.rel @p0 .LBB2_2-.Ltmp0, $4  }
0x51: {  	s0 =	sadd.s32 $0x5080, s0;
	[sflag:s25] =	ssyncadd.s32 $0xFFFFF000  }
0x52: {  	[spmem:s2] =	stream.indirect.scatter.add.f32 [tilespmem:s23], [sflag:$0x3], $0x20, s0, s21, $0xb8;
	[tilespmem:$0x1B000] =	vst v63  }
0x53: {  	_ =	swait.ge [sflag:s15], $0x1000  }
0x54: {  	s16 =	smov.u32 s20;
	s0 =	sshra.s32 s18, $0x2;
	[sflag:s15] =	ssyncset.done $0x0  }
0x55: {  	s16 =	sadd.s32 $0x80, s0;
	[sflag:s15] =	ssyncadd.s32 $0xFFFFF000  }
0x56: {  	[tilespmem:s23], [sflag:$0x2] =	stream.indirect.gather [spmem:s3], $0x20, s16, s21, $0xb8;
	[tilespmem:$0x1B000] =	vst v63  }
0x57: {  	_ =	swait.ge [sflag:s24], $0x1000  }
0x58: {  	[sflag:s24] =	ssyncset.done $0x0  }
0x59: {  	s18 =	sadd.s32 $0x5000, s0;
	[sflag:s24] =	ssyncadd.s32 $0xFFFFF000  }
0x5a: {  	[spmem:s2] =	stream.indirect.scatter.add.f32 [tilespmem:s22], [sflag:$0x3], $0x20, s18, s21, $0xb8;
	[tilespmem:$0x1B000] =	vst v63  }
0x5b: {  	_ =	swait.ge [sflag:s15], $0x1000  }
0x5c: {  	[sflag:s15] =	ssyncset.done $0x0  }
0x5d: {  	s20 =	sadd.s32 $0x100, s0;
	[sflag:s15] =	ssyncadd.s32 $0xFFFFF000  }
0x5e: {  	[tilespmem:s22], [sflag:$0x1] =	stream.indirect.gather [spmem:s3], $0x20, s20, s21, $0xb8;
	[tilespmem:$0x1B000] =	vst v63  }
0x5f: {  	_ =	swait.ge [sflag:s25], $0x1000  }
0x60: {  	[sflag:s25] =	ssyncset.done $0x0  }
0x61: {  	s17 =	sadd.s32 $0x5080, s0;
	[sflag:s25] =	ssyncadd.s32 $0xFFFFF000  }
0x62: {  	[spmem:s2] =	stream.indirect.scatter.add.f32 [tilespmem:s23], [sflag:$0x3], $0x20, s17, s21, $0xb8;
	[tilespmem:$0x1B000] =	vst v63  }
0x63: {  	_ =	swait.ge [sflag:s15], $0x1000  }
0x64: {  	[sflag:s15] =	ssyncset.done $0x0  }
0x65: {  	[sflag:s15] =	ssyncadd.s32 $0xFFFFF000  }
0x66: {  	[tilespmem:s23], [sflag:$0x2] =	stream.indirect.gather [spmem:s3], $0x20, s26, s21, $0xb8;
	[tilespmem:$0x1B000] =	vst v63  }
0x67: {  	_ =	swait.ge [sflag:s24], $0x1000  }
0x68: {  	[sflag:s24] =	ssyncset.done $0x0  }
0x69: {  	[sflag:s24] =	ssyncadd.s32 $0xFFFFF000  }
0x6a: {  	[spmem:s2] =	stream.indirect.scatter.add.f32 [tilespmem:s22], [sflag:$0x3], $0x20, s28, s21, $0xb8;
	[tilespmem:$0x1B000] =	vst v63  }
0x6b: {  	_ =	swait.ge [sflag:s15], $0x1000  }
0x6c: {  	[sflag:s15] =	ssyncset.done $0x0  }
0x6d: {  	[sflag:s15] =	ssyncadd.s32 $0xFFFFF000  }
0x6e: {  	_ =	swait.ge [sflag:s25], $0x1000  }
0x6f: {  	[sflag:s25] =	ssyncset.done $0x0  }
0x70: {  	[sflag:s25] =	ssyncadd.s32 $0xFFFFF000  }
0x71: {  	[spmem:s2] =	stream.indirect.scatter.add.f32 [tilespmem:s23], [sflag:$0x3], $0x20, s29, s21, $0xb8;
	[tilespmem:$0x1B000] =	vst v63  }
0x72: {  	s18 =	stileid.u32;
	_ =	swait.ge [sflag:s15], $0x1000  }
0x73: {  	s1 =	sadd.s32 $0x1, s1;
	s0 =	sshll.u32 s18, $0x6;
	[sflag:s15] =	ssyncset.done $0x0  }
0x74: {  	p0 =	sne.s32 s1, s14;
	s0 =	sor.u32 $0x1C03, s0;
	[sflag:s15] =	ssyncadd.s32 $0xFFFFF000  }
.Ltmp1:
0x75: {  	s20 =	sshrl.u32 s10, $0x3;
	[bflag:$0x0] =	sbarrier.arrive $0xFFFF;
	(pc) =	sbr.rel @p0 .LBB2_1-.Ltmp1, $4  }
0x76: {  	[hbm:s13@s30], [sflag:s0] =	dma.strided [spmem:s20@s31], $0xA00, s24, $0x4   }
0x77: {  	_ =	swait.ge [sflag:s15], $0xA00  }
0x78: {  	[sflag:s15] =	ssyncset.done $0x0  }
0x79: {  	[sflag:s15] =	ssyncadd.s32 $0xFFFFF600  }
0x7a: {  	_ =	sfence.sel $0x180000  }
0x7b: {  	[bflag:$0x0] =	sbarrier.arrive $0xFFFF  }
0x7c: {  	_ =	strace $0x9000004A  }
0x7d: {  	s0 =	stileid.u32;
	[bflag:$0x2] =	sbarrier.arrive $0xFFFF  }
0x7e: {  	p0 =	sne.s32 s0, $0x0;
	s0 =	rddreg [dreg:$0x4]  }
0x7f: {  	s0 =	sadd.s32 @!p0 $0x100000, s0  }
0x80: {  	[sflag:s0] =	ssyncadd.tile.s32 @!p0 $0x1;
	_ =	shalt  }
.Lfunc_end2:
_tile_overlayer_lowered:
.L_overlay_start_2:
0x81: {  	(tag) =	ssettag $0x2  }
0x82: {  	s0 =	rddreg [dreg:$0x0];
	s2 =	stileid.u32  }
0x83: {  	s1 =	rddreg [dreg:$0x1];
	p0 =	sne.s32 s2, $0x0  }
0x84: {  	s3 =	rddreg [dreg:$0x2];
	[bflag:$0x3] =	sbarrier.arrive $0xFFFF;
	s2 =	simm.s32 @!p0 $0x1C03  }
0x85: {  	[timem:s3], [sflag:s2] =	dma.local @!p0 [hbm:s0], s1  }
0x86: {  	s0 =	simm.s32 @!p0 $0x3  }
0x87: {  	_ =	swait.ge @!p0 [sflag:s0], s1  }
0x88: {  	s1 =	ssub.s32 @!p0 $0x0, s1;
	[sflag:s0] =	ssyncset.done @!p0 $0x0  }
0x89: {  	[sflag:s0] =	ssyncadd.s32 @!p0 s1  }
0x8a: {  	[bflag:$0x3] =	sbarrier.arrive $0xFFFF  }
0x8b: {  	_ =	shalt  }

// kernel: kernel.14.cloned.1.call-start
scs
__scs_entry_jumppad:
0x0: {  	(pc) =	sbr.rel $0x88, $3  }
0x1: {  	(tag) =	ssettag $0x0;
	lr =	simm.s32 $0x1  }
0x2: {  	[smem:$0x3F99] =	sst lr;
	_ =	strace $0xD0000000  }
0x3: {  	_ = 	snop  }
0x4: {  	_ = 	snop  }
0x5: {  	_ = 	snop  }
0x6: {  	_ = 	snop  }
0x7: {  	_ = 	snop  }
__scs_overlays_trampoline_lowered:
0x8: {  	[smem:$0x3FA8] =	sst s0  }
0x9: {  	[smem:$0x3FA9] =	sst s1  }
0xa: {  	[smem:$0x3FAA] =	sst s2  }
0xb: {  	[smem:$0x3FAB] =	sst s3  }
0xc: {  	[smem:$0x3FAC] =	sst s4  }
0xd: {  	[smem:$0x3FAD] =	sst s5  }
0xe: {  	[smem:$0x3FAE] =	sst s6  }
0xf: {  	[smem:$0x3FAF] =	sst s7  }
0x10: {  	[smem:$0x3FB0] =	sst s8  }
0x11: {  	[smem:$0x3FB1] =	sst s9;
	s0 =	simm.s32 @!p0 $0x0  }
0x12: {  	s1 =	sld [smem:$0x3F97];
	s0 =	simm.s32 @p0 $0x1  }
0x13: {  	[smem:$0x3FB2] =	sst s0;
	s0 =	simm.s32 @!p1 $0x0  }
0x14: {  	s2 =	sld [smem:$0x3F96];
	s0 =	simm.s32 @p1 $0x1  }
0x15: {  	[smem:$0x3FB3] =	sst s0;
	s0 =	simm.s32 @!p2 $0x0  }
0x16: {  	s3 =	sld [smem:$0x3FDB];
	s0 =	simm.s32 @p2 $0x1  }
0x17: {  	s4 =	simm.s32 $0x1BF5;
	[smem:$0x3FB5] =	sst s0  }
0x18: {  	s0 =	sld [smem:$0x3F98];
	_ =	swait.ge [sflag:s4], $0x0  }
0x19: {  	s7 =	sld [smem:$0x3F99]  }
0x1a: {  	s8 =	sadd.s32 $0xFFFFE003, lr  }
0x1b: {  	s9 =	sadd.s32 $0xFFFFFEF7, lr;
	s5 =	simm.s32 $0xFFFFFFFF;
	p2 =	slt.u32 s8, $0xFFFFF086  }
0x1c: {  	p1 =	slt.u32 s9, $0xF7A;
	s5 =	simm.s32 @!p2 $0x0  }
0x1d: {  	s5 =	simm.s32 @p1 $0x1;
	p0 =	seq.s32 s7, s2  }
0x1e: {  	s7 =	smul.u32 @!p0 $0xF7A, s2;
	p2 =	seq.s32 @!p0 s5, $0x0  }
0x1f: {  	s9 =	smul.u32 $0xF7A, s1;
	s8 =	simm.s32 @!p0 $0x1BF5;
	p2 =	por !p2, p0  }
0x20: {  	[sflag:s8] =	ssyncset.s32 @!p0 $0xFFFFF086;
	s6 =	sadd.s32 @!p0 s3, s7;
	s7 =	simm.s32 @!p0 $0x108  }
0x21: {  	s3 =	sadd.s32 s3, s9;
	s6 =	sadd.s32 @!p0 $0x88, s6;
	s7 =	simm.s32 @p2 $0x1082  }
0x22: {  	[simem:s7], [sflag:s8] =	dma.local @!p0 [hbm:s6], $0xF7A  }
0x23: {  	s9 =	sor.u32 $0xD0000000, s2;
	s6 =	simm.s32 $0x108;
	_ =	swait.ge @!p0 [sflag:s8], $0x0  }
0x24: {  	s3 =	sadd.s32 $0x88, s3;
	s6 =	simm.s32 @!p1 $0x1082;
	[sflag:s4] =	ssyncset.s32 $0xFFFFF086  }
0x25: {  	[simem:s6], [sflag:s4] =	dma.local [hbm:s3], $0xF7A  }
0x26: {  	[smem:$0x3F99] =	sst s1;
	(tag) =	ssettag s2;
	_ =	strace s9  }
0x27: {  	s1 =	sld [smem:$0x3FA9]  }
0x28: {  	s2 =	sld [smem:$0x3FAA]  }
0x29: {  	s4 =	sld [smem:$0x3FAC]  }
0x2a: {  	p0 =	seq.s32 s5, $0x0;
	s5 =	sld [smem:$0x3FAD]  }
0x2b: {  	s6 =	sld [smem:$0x3FAE]  }
0x2c: {  	s7 =	sld [smem:$0x3FAF]  }
0x2d: {  	s3 =	simm.s32 $0x108;
	s8 =	sld [smem:$0x3FB0]  }
0x2e: {  	s3 =	simm.s32 @!p0 $0x1082;
	s9 =	sld [smem:$0x3FB1]  }
0x2f: {  	lr =	sadd.s32 s0, s3;
	s0 =	sld [smem:$0x3FA8]  }
0x30: {  	s3 =	sld [smem:$0x3FAB]  }
0x31: {  	[smem:$0x3FB4] =	sst s10  }
0x32: {  	s10 =	sld [smem:$0x3FB2];
	_ =	sdelay $0x3  }
0x33: {  	p0 =	seq.s32 s10, $0x1;
	s10 =	sld [smem:$0x3FB4];
	_ =	sdelay $0x3  }
0x34: {  	[smem:$0x3FB4] =	sst s10  }
0x35: {  	s10 =	sld [smem:$0x3FB3];
	_ =	sdelay $0x3  }
0x36: {  	p1 =	seq.s32 s10, $0x1;
	s10 =	sld [smem:$0x3FB4];
	_ =	sdelay $0x3  }
0x37: {  	[smem:$0x3FB4] =	sst s10  }
0x38: {  	s10 =	sld [smem:$0x3FB5]  }
0x39: {  	_ = 	snop;
	(pc) =	sbr.ind lr, $3  }
0x3a: {  	_ = 	snop  }
0x3b: {  	_ = 	snop  }
0x3c: {  	p2 =	seq.s32 s10, $0x1;
	s10 =	sld [smem:$0x3FB4]  }
0x3d: {  	_ =	shalt  }
0x3e: {  	_ =	shalt  }
0x3f: {  	_ =	shalt  }
0x40: {  	_ =	shalt  }
0x41: {  	_ =	shalt  }
0x42: {  	_ =	shalt  }
0x43: {  	_ =	shalt  }
0x44: {  	_ =	shalt  }
0x45: {  	_ =	shalt  }
0x46: {  	_ =	shalt  }
0x47: {  	_ =	shalt  }
0x48: {  	_ =	shalt  }
0x49: {  	_ =	shalt  }
0x4a: {  	_ =	shalt  }
0x4b: {  	_ =	shalt  }
0x4c: {  	_ =	shalt  }
0x4d: {  	_ =	shalt  }
0x4e: {  	_ =	shalt  }
0x4f: {  	_ =	shalt  }
0x50: {  	_ =	shalt  }
0x51: {  	_ =	shalt  }
0x52: {  	_ =	shalt  }
0x53: {  	_ =	shalt  }
0x54: {  	_ =	shalt  }
0x55: {  	_ =	shalt  }
0x56: {  	_ =	shalt  }
0x57: {  	_ =	shalt  }
0x58: {  	_ =	shalt  }
0x59: {  	_ =	shalt  }
0x5a: {  	_ =	shalt  }
0x5b: {  	_ =	shalt  }
0x5c: {  	_ =	shalt  }
0x5d: {  	_ =	shalt  }
0x5e: {  	_ =	shalt  }
0x5f: {  	_ =	shalt  }
0x60: {  	_ =	shalt  }
0x61: {  	_ =	shalt  }
0x62: {  	_ =	shalt  }
0x63: {  	_ =	shalt  }
0x64: {  	_ =	shalt  }
0x65: {  	_ =	shalt  }
0x66: {  	_ =	shalt  }
0x67: {  	_ =	shalt  }
0x68: {  	_ =	shalt  }
0x69: {  	_ =	shalt  }
0x6a: {  	_ =	shalt  }
0x6b: {  	_ =	shalt  }
0x6c: {  	_ =	shalt  }
0x6d: {  	_ =	shalt  }
0x6e: {  	_ =	shalt  }
0x6f: {  	_ =	shalt  }
0x70: {  	_ =	shalt  }
0x71: {  	_ =	shalt  }
0x72: {  	_ =	shalt  }
0x73: {  	_ =	shalt  }
0x74: {  	_ =	shalt  }
0x75: {  	_ =	shalt  }
0x76: {  	_ =	shalt  }
0x77: {  	_ =	shalt  }
0x78: {  	_ =	shalt  }
0x79: {  	_ =	shalt  }
0x7a: {  	_ =	shalt  }
0x7b: {  	_ =	shalt  }
0x7c: {  	_ =	shalt  }
0x7d: {  	_ =	shalt  }
0x7e: {  	_ =	shalt  }
0x7f: {  	_ =	shalt  }
0x80: {  	_ =	shalt  }
0x81: {  	_ =	shalt  }
0x82: {  	_ =	shalt  }
0x83: {  	_ =	shalt  }
0x84: {  	_ =	shalt  }
0x85: {  	_ =	shalt  }
0x86: {  	_ =	shalt  }
0x87: {  	_ =	shalt  }
.Lfunc_end0:
.L_simem_size_0:
called_computation.2_lowered:
.L_overlay_start_0:
0x88: {  	s2 =	sld [smem:$0x3FD9]  }
0x89: {  	s3 =	sld [smem:$0x3FFE];
	_ =	sdelay $0x1  }
0x8a: {  	s1 =	srdreg.scid  }
0x8b: {  	s0 =	sand.u32 $0x1, s1  }
0x8c: {  	s17 =	sshll.u32 s0, $0xA;
	s2 =	sadd.s32 s3, s2  }
0x8d: {  	s2 =	sadd.s32 s2, s17  }
0x8e: {  	[smem:$0x3FC0] =	sst s2  }
0x8f: {  	_ = 	snop  }
0x90: {  	s2 =	sld [smem:$0x3FD0];
	(tm) =	ssettm $0x1  }
0x91: {  	s18 =	sld [smem:$0x3FFB];
	_ =	sdelay $0x3  }
0x92: {  	_ =	strace s18  }
0x93: {  	s3 =	sld [smem:$0x3FFC];
	_ =	sdelay $0x3  }
0x94: {  	_ =	strace s3  }
0x95: {  	s3 =	sld [smem:$0x3FFD];
	_ =	sdelay $0x3  }
0x96: {  	_ =	strace s3  }
0x97: {  	_ =	strace $0x8FFFFFFF  }
0x98: {  	s19 =	sld [smem:$0x3FDB];
	_ =	sdelay $0x1  }
0x99: {  	s4 =	simm.s32 $_scs_section_size  }
0x9a: {  	s5 =	simm.s32 $_size__tile_overlayer_lowered;
	s6 =	simm.s32 $_tile_overlayer_lowered  }
0x9b: {  	s22 =	simm.s32 $0x1BFF;
	s21 =	sshll.u32 s6, $0x1;
	s3 =	sadd.s32 s4, s19  }
0x9c: {  	s7 =	simm.s32 $0x0;
	s20 =	sshll.u32 s5, $0x1;
	s5 =	sadd.s32 s21, s3  }
0x9d: {  	[timem:s7], [sflag:s22] =	dma.local [hbm:s5], s20  }
0x9e: {  	_ =	swait.ge [sflag:s22], s20  }
0x9f: {  	s4 =	ssub.s32 $0x0, s20;
	[sflag:s22] =	ssyncset.done $0x0  }
0xa0: {  	[sflag:s22] =	ssyncadd.s32 s4;
	_ =	sdelay $0x1  }
0xa1: {  	s23 =	simm.s32 $0x1B8B  }
0xa2: {  	_ =	swait.ge [sflag:s23], $0x1  }
0xa3: {  	[sflag:s23] =	ssyncset.done $0x0  }
0xa4: {  	s25 =	simm.s32 $0x1B8E;
	s24 =	sld [smem:$0x3FFE];
	[sflag:s23] =	ssyncadd.s32 $0xFFFFFFFF  }
0xa5: {  	s26 =	simm.s32 $execute0_lowered;
	[smem:$0x3FD2] =	sst s25  }
0xa6: {  	s5 =	sshll.u32 s26, $0x1;
	_ =	strace $0x8000004C;
	[dreg:$0x1] =	wrdreg $0xFFFFFFFF  }
0xa7: {  	s28 =	simm.s32 $_size_execute0_lowered;
	s3 =	sadd.s32 s3, s5;
	[dreg:$0x0] =	wrdreg $0x0  }
0xa8: {  	s5 =	sshll.u32 s28, $0x1;
	[dreg:$0x2] =	wrdreg s3  }
0xa9: {  	[dreg:$0x3] =	wrdreg s5  }
0xaa: {  	[dreg:$0x4] =	wrdreg $0xC0  }
0xab: {  	_ =	task [dreg:s7], $0x5FFFF  }
0xac: {  	[dreg:$0x1] =	wrdreg $0xFFFFFFFF  }
0xad: {  	[dreg:$0x0] =	wrdreg $0x60  }
0xae: {  	[dreg:$0x2] =	wrdreg s24  }
0xaf: {  	[dreg:$0x3] =	wrdreg s2  }
0xb0: {  	[dreg:$0x4] =	wrdreg $0x160000  }
0xb1: {  	[dreg:$0x5] =	wrdreg $0x110000  }
0xb2: {  	[dreg:$0x6] =	wrdreg $0x9  }
0xb3: {  	_ =	task.clear_ibuf [dreg:s7], $0x7FFFF;
	_ =	strace $0x9000004C  }
0xb4: {  	s29 =	simm.s32 $0x9;
	_ =	strace $0x8000004E  }
0xb5: {  	_ =	swait.ge [sflag:s29], $0x1  }
0xb6: {  	[sflag:s29] =	ssyncadd.s32 $0xFFFFFFFF  }
0xb7: {  	_ =	strace $0x9000004E  }
0xb8: {  	_ =	sfence  }
0xb9: {  	s30 =	sld [smem:$0x0];
	_ =	sdelay $0x2  }
0xba: {  	s31 =	sshll.u32 s1, $0xD;
	s1 =	sshrl.u32 s1, $0x2  }
0xbb: {  	s3 =	sand.u32 $0x4000, s31;
	s1 =	sadd.s32 s1, s30  }
0xbc: {  	s0 =	sor.u32 s3, s0;
	s1 =	sshll.u32 s1, $0x11  }
0xbd: {  	s0 =	sor.u32 s1, s0  }
0xbe: {  	s0 =	sadd.s32 $0x8F2B, s0  }
0xbf: {  	[sflag:s0] =	ssyncadd.remote.s32 $0x1  }
0xc0: {  	_ =	sfence.sel $0xFFFF  }
0xc1: {  	[dreg:$0x0] =	wrdreg $0xFFFFFFFF;
	(pc) =	sbr.abs _section_cstart, $3  }
0xc2: {  	[dreg:$0x1] =	wrdreg $0xFFFFFFFF  }
0xc3: {  	_ =	task.clear_ibuf [dreg:s7], $0x2FFFF;
	_ =	strace $0x9FFFFFFF  }
0xc4: {  	(tm) =	ssettm $0x7FFFFFFF  }
0xc5: {  	_ =	shalt  }
tec
execute0_lowered:
.L_overlay_start_1:
0x0: {  	(tag) =	ssettag $0x1  }
0x1: {  	s0 =	rddreg [dreg:$0x0]  }
0x2: {  	s1 =	rddreg [dreg:$0x1];
	s3 =	srdreg.scid  }
0x3: {  	s13 =	stileid.u32;
	s2 =	rddreg [dreg:$0x2];
	s4 =	simm.s32 $0x0  }
0x4: {  	s15 =	simm.s32 $0x3;
	s19 =	simm.s32 $0xC000;
	s21 =	simm.s32 $0x80  }
0x5: {  	s22 =	simm.s32 $0xA000;
	s23 =	simm.s32 $0xB000;
	s28 =	simm.s32 $0x9F00  }
0x6: {  	s29 =	simm.s32 $0x9F80;
	s30 =	simm.s32 $0x8;
	s5 =	smul.u32 $0x14000, s13  }
0x7: {  	s8 =	sand.u32 $0x1, s3;
	s3 =	rddreg [dreg:$0x3];
	s7 =	smul.u32 $0xA000, s13  }
0x8: {  	s31 =	simm.s32 $0x4;
	[smem:$0x7FF] =	sst s4;
	s10 =	smul.u32 $0x4E20, s13  }
0x9: {  	s13 =	smul.u32 $0x5000, s13;
	s6 =	sshll.u32 s8, $0x5;
	_ =	strace $0x8000004D  }
0xa: {  	s12 =	ssub.s32 $0x2, s8;
	s5 =	sor.u32 s6, s5;
	s9 =	sor.u32 s6, s7  }
0xb: {  	s6 =	sadd.s32 $0x2C000, s0;
	s7 =	sadd.s32 $0x2BE00, s0;
	s24 =	sshrl.u32 s10, $0x3  }
0xc: {  	s25 =	sshrl.u32 s12, $0x1;
	s10 =	sadd.s32 s13, s2;
	s5 =	sshrl.u32 s5, $0x3  }
0xd: {  	s9 =	sshrl.u32 s9, $0x3;
	s8 =	sadd.s32 s1, s24;
	s26 =	ssub.s32 s12, s25  }
0xe: {  	s12 =	sadd.s32 s13, s3;
	s24 =	simm.s32 $0x1;
	s25 =	simm.s32 $0x2  }
0xf: {  	s1 =	simm.s32 $0x0;
	s11 =	sadd.s32 s5, s0;
	s5 =	sadd.s32 $0x2B400, s0  }
0x10: {  	s0 =	sadd.s32 s9, s0;
	s9 =	sadd.s32 $0x9C40, s8;
	s14 =	smax.u32 s26, $0x1  }
0x11: {  	s26 =	simm.s32 $0x4F80;
	s11 =	sadd.s32 $0x3400, s11;
	s13 =	sadd.s32 $0x2C200, s0  }
.LBB2_1:
0x12: {  	[tilespmem:s4], [sflag:$0x3] =	stream.linear.gather [hbm4b:s8+s4], $0x4E20, $0x38;
	[tilespmem:$0x1B000] =	vst v63  }
0x13: {  	_ =	swait.ge [sflag:s15], $0x4E20  }
0x14: {  	[sflag:s15] =	ssyncset.done $0x0  }
0x15: {  	s0 =	simm.s32 $0x4E20;
	[sflag:s15] =	ssyncadd.s32 $0xFFFFB1E0  }
0x16: {  	[tilespmem:s0], [sflag:$0x3] =	stream.linear.gather [hbm4b:s6+s4], $0x1E0, $0x38;
	[tilespmem:$0x1B000] =	vst v63  }
0x17: {  	_ =	swait.ge [sflag:s15], $0x1E0  }
0x18: {  	[sflag:s15] =	ssyncset.done $0x0  }
0x19: {  	s17 =	simm.s32 $0x5000;
	[sflag:s15] =	ssyncadd.s32 $0xFFFFFE20  }
0x1a: {  	[tilespmem:s17], [sflag:$0x3] =	stream.linear.gather [hbm4b:s9+s4], $0x4E20, $0x38;
	[tilespmem:$0x1B000] =	vst v63  }
0x1b: {  	_ =	swait.ge [sflag:s15], $0x4E20  }
0x1c: {  	[sflag:s15] =	ssyncset.done $0x0  }
0x1d: {  	s18 =	simm.s32 $0x9E20;
	[sflag:s15] =	ssyncadd.s32 $0xFFFFB1E0  }
0x1e: {  	[tilespmem:s18], [sflag:$0x3] =	stream.linear.gather [hbm4b:s7+s4], $0x1E0, $0x38;
	[tilespmem:$0x1B000] =	vst v63  }
0x1f: {  	_ =	swait.ge [sflag:s15], $0x1E0  }
0x20: {  	[sflag:s15] =	ssyncset.done $0x0  }
0x21: {  	[sflag:s15] =	ssyncadd.s32 $0xFFFFFE20  }
0x22: {  	[tilespmem:s19], [sflag:$0x3] =	stream.linear.gather [hbm4b:s5+s4], $0x5000, $0x38;
	[tilespmem:$0x1B000] =	vst v63  }
0x23: {  	_ =	swait.ge [sflag:s15], $0x5000  }
0x24: {  	[sflag:s15] =	ssyncset.done $0x0  }
0x25: {  	[sflag:s15] =	ssyncadd.s32 $0xFFFFB000  }
0x26: {  	[spmem:s10] =	stream.linear.scatter [tilespmem:s19], [sflag:$0x3], $0x5000, $0x38;
	[tilespmem:$0x1B000] =	vst v63  }
0x27: {  	_ =	swait.ge [sflag:s15], $0x5000  }
0x28: {  	[sflag:s15] =	ssyncset.done $0x0  }
0x29: {  	s20 =	simm.s32 $0x20;
	[sflag:s15] =	ssyncadd.s32 $0xFFFFB000  }
0x2a: {  	[tilespmem:s19], [sflag:$0x3] =	stream.strided.gather [hbm4b:s11+s20], $0x5000, s21, s20, $0x38;
	[tilespmem:$0x1B000] =	vst v63  }
0x2b: {  	_ =	swait.ge [sflag:s15], $0x5000  }
0x2c: {  	[sflag:s15] =	ssyncset.done $0x0  }
0x2d: {  	[sflag:s15] =	ssyncadd.s32 $0xFFFFB000  }
0x2e: {  	[spmem:s12] =	stream.linear.scatter [tilespmem:s19], [sflag:$0x3], $0x5000, $0x38;
	[tilespmem:$0x1B000] =	vst v63  }
0x2f: {  	_ =	swait.ge [sflag:s15], $0x5000  }
0x30: {  	[sflag:s15] =	ssyncset.done $0x0  }
0x31: {  	[sflag:s15] =	ssyncadd.s32 $0xFFFFB000  }
0x32: {  	[bflag:$0x0] =	sbarrier.arrive $0xFFFF  }
0x33: {  	[tilespmem:s22], [sflag:$0x1] =	stream.indirect.gather [spmem:s3], $0x20, s4, s21, $0xb8;
	[tilespmem:$0x1B000] =	vst v63  }
0x34: {  	s16 =	simm.s32 $0x80  }
0x35: {  	[tilespmem:s23], [sflag:$0x2] =	stream.indirect.gather [spmem:s3], $0x20, s16, s21, $0xb8;
	[tilespmem:$0x1B000] =	vst v63  }
0x36: {  	_ =	swait.ge [sflag:s24], $0x1000  }
0x37: {  	[sflag:s24] =	ssyncset.done $0x0  }
0x38: {  	s17 =	simm.s32 $0x5000;
	[sflag:s24] =	ssyncadd.s32 $0xFFFFF000  }
0x39: {  	[spmem:s2] =	stream.indirect.scatter.add.f32 [tilespmem:s22], [sflag:$0x3], $0x20, s17, s21, $0xb8;
	[tilespmem:$0x1B000] =	vst v63  }
0x3a: {  	_ =	swait.ge [sflag:s15], $0x1000  }
0x3b: {  	[sflag:s15] =	ssyncset.done $0x0  }
0x3c: {  	s18 =	simm.s32 $0x100;
	[sflag:s15] =	ssyncadd.s32 $0xFFFFF000  }
0x3d: {  	[tilespmem:s22], [sflag:$0x1] =	stream.indirect.gather [spmem:s3], $0x20, s18, s21, $0xb8;
	[tilespmem:$0x1B000] =	vst v63  }
0x3e: {  	_ =	swait.ge [sflag:s25], $0x1000  }
0x3f: {  	[sflag:s25] =	ssyncset.done $0x0  }
0x40: {  	s20 =	simm.s32 $0x5080;
	[sflag:s25] =	ssyncadd.s32 $0xFFFFF000  }
0x41: {  	[spmem:s2] =	stream.indirect.scatter.add.f32 [tilespmem:s23], [sflag:$0x3], $0x20, s20, s21, $0xb8;
	[tilespmem:$0x1B000] =	vst v63  }
0x42: {  	_ =	swait.ge [sflag:s15], $0x1000  }
0x43: {  	s0 =	simm.s32 $0x100;
	s16 =	simm.s32 $0x800;
	[sflag:s15] =	ssyncset.done $0x0  }
.LBB2_2:
0x44: {  	s17 =	sadd.s32 $0x80, s0  }
0x45: {  	[sflag:s15] =	ssyncadd.s32 $0xFFFFF000;
	s18 =	smov.u32 s16;
	s20 =	sadd.s32 $0x400, s16  }
0x46: {  	[tilespmem:s23], [sflag:$0x2] =	stream.indirect.gather [spmem:s3], $0x20, s17, s21, $0xb8;
	[tilespmem:$0x1B000] =	vst v63  }
0x47: {  	p0 =	sne.s32 s16, $0x13800;
	_ =	swait.ge [sflag:s24], $0x1000  }
0x48: {  	[sflag:s24] =	ssyncset.done $0x0  }
0x49: {  	s16 =	sadd.s32 $0x5000, s0;
	[sflag:s24] =	ssyncadd.s32 $0xFFFFF000  }
0x4a: {  	[spmem:s2] =	stream.indirect.scatter.add.f32 [tilespmem:s22], [sflag:$0x3], $0x20, s16, s21, $0xb8;
	[tilespmem:$0x1B000] =	vst v63  }
0x4b: {  	_ =	swait.ge [sflag:s15], $0x1000  }
0x4c: {  	[sflag:s15] =	ssyncset.done $0x0  }
0x4d: {  	s16 =	sadd.s32 $0x100, s0;
	[sflag:s15] =	ssyncadd.s32 $0xFFFFF000  }
0x4e: {  	[tilespmem:s22], [sflag:$0x1] =	stream.indirect.gather [spmem:s3], $0x20, s16, s21, $0xb8;
	[tilespmem:$0x1B000] =	vst v63  }
0x4f: {  	_ =	swait.ge [sflag:s25], $0x1000  }
.Ltmp0:
0x50: {  	[sflag:s25] =	ssyncset.done $0x0;
	(pc) =	sbr.rel @p0 .LBB2_2-.Ltmp0, $4  }
0x51: {  	s0 =	sadd.s32 $0x5080, s0;
	[sflag:s25] =	ssyncadd.s32 $0xFFFFF000  }
0x52: {  	[spmem:s2] =	stream.indirect.scatter.add.f32 [tilespmem:s23], [sflag:$0x3], $0x20, s0, s21, $0xb8;
	[tilespmem:$0x1B000] =	vst v63  }
0x53: {  	_ =	swait.ge [sflag:s15], $0x1000  }
0x54: {  	s16 =	smov.u32 s20;
	s0 =	sshra.s32 s18, $0x2;
	[sflag:s15] =	ssyncset.done $0x0  }
0x55: {  	s16 =	sadd.s32 $0x80, s0;
	[sflag:s15] =	ssyncadd.s32 $0xFFFFF000  }
0x56: {  	[tilespmem:s23], [sflag:$0x2] =	stream.indirect.gather [spmem:s3], $0x20, s16, s21, $0xb8;
	[tilespmem:$0x1B000] =	vst v63  }
0x57: {  	_ =	swait.ge [sflag:s24], $0x1000  }
0x58: {  	[sflag:s24] =	ssyncset.done $0x0  }
0x59: {  	s18 =	sadd.s32 $0x5000, s0;
	[sflag:s24] =	ssyncadd.s32 $0xFFFFF000  }
0x5a: {  	[spmem:s2] =	stream.indirect.scatter.add.f32 [tilespmem:s22], [sflag:$0x3], $0x20, s18, s21, $0xb8;
	[tilespmem:$0x1B000] =	vst v63  }
0x5b: {  	_ =	swait.ge [sflag:s15], $0x1000  }
0x5c: {  	[sflag:s15] =	ssyncset.done $0x0  }
0x5d: {  	s20 =	sadd.s32 $0x100, s0;
	[sflag:s15] =	ssyncadd.s32 $0xFFFFF000  }
0x5e: {  	[tilespmem:s22], [sflag:$0x1] =	stream.indirect.gather [spmem:s3], $0x20, s20, s21, $0xb8;
	[tilespmem:$0x1B000] =	vst v63  }
0x5f: {  	_ =	swait.ge [sflag:s25], $0x1000  }
0x60: {  	[sflag:s25] =	ssyncset.done $0x0  }
0x61: {  	s17 =	sadd.s32 $0x5080, s0;
	[sflag:s25] =	ssyncadd.s32 $0xFFFFF000  }
0x62: {  	[spmem:s2] =	stream.indirect.scatter.add.f32 [tilespmem:s23], [sflag:$0x3], $0x20, s17, s21, $0xb8;
	[tilespmem:$0x1B000] =	vst v63  }
0x63: {  	_ =	swait.ge [sflag:s15], $0x1000  }
0x64: {  	[sflag:s15] =	ssyncset.done $0x0  }
0x65: {  	[sflag:s15] =	ssyncadd.s32 $0xFFFFF000  }
0x66: {  	[tilespmem:s23], [sflag:$0x2] =	stream.indirect.gather [spmem:s3], $0x20, s26, s21, $0xb8;
	[tilespmem:$0x1B000] =	vst v63  }
0x67: {  	_ =	swait.ge [sflag:s24], $0x1000  }
0x68: {  	[sflag:s24] =	ssyncset.done $0x0  }
0x69: {  	[sflag:s24] =	ssyncadd.s32 $0xFFFFF000  }
0x6a: {  	[spmem:s2] =	stream.indirect.scatter.add.f32 [tilespmem:s22], [sflag:$0x3], $0x20, s28, s21, $0xb8;
	[tilespmem:$0x1B000] =	vst v63  }
0x6b: {  	_ =	swait.ge [sflag:s15], $0x1000  }
0x6c: {  	[sflag:s15] =	ssyncset.done $0x0  }
0x6d: {  	[sflag:s15] =	ssyncadd.s32 $0xFFFFF000  }
0x6e: {  	_ =	swait.ge [sflag:s25], $0x1000  }
0x6f: {  	[sflag:s25] =	ssyncset.done $0x0  }
0x70: {  	[sflag:s25] =	ssyncadd.s32 $0xFFFFF000  }
0x71: {  	[spmem:s2] =	stream.indirect.scatter.add.f32 [tilespmem:s23], [sflag:$0x3], $0x20, s29, s21, $0xb8;
	[tilespmem:$0x1B000] =	vst v63  }
0x72: {  	s18 =	stileid.u32;
	_ =	swait.ge [sflag:s15], $0x1000  }
0x73: {  	s1 =	sadd.s32 $0x1, s1;
	s0 =	sshll.u32 s18, $0x6;
	[sflag:s15] =	ssyncset.done $0x0  }
0x74: {  	p0 =	sne.s32 s1, s14;
	s0 =	sor.u32 $0x1C03, s0;
	[sflag:s15] =	ssyncadd.s32 $0xFFFFF000  }
.Ltmp1:
0x75: {  	s20 =	sshrl.u32 s10, $0x3;
	[bflag:$0x0] =	sbarrier.arrive $0xFFFF;
	(pc) =	sbr.rel @p0 .LBB2_1-.Ltmp1, $4  }
0x76: {  	[hbm:s13@s30], [sflag:s0] =	dma.strided [spmem:s20@s31], $0xA00, s24, $0x4   }
0x77: {  	_ =	swait.ge [sflag:s15], $0xA00  }
0x78: {  	[sflag:s15] =	ssyncset.done $0x0  }
0x79: {  	[sflag:s15] =	ssyncadd.s32 $0xFFFFF600  }
0x7a: {  	_ =	sfence.sel $0x180000  }
0x7b: {  	[bflag:$0x0] =	sbarrier.arrive $0xFFFF  }
0x7c: {  	_ =	strace $0x9000004D  }
0x7d: {  	s0 =	stileid.u32;
	[bflag:$0x2] =	sbarrier.arrive $0xFFFF  }
0x7e: {  	p0 =	sne.s32 s0, $0x0;
	s0 =	rddreg [dreg:$0x4]  }
0x7f: {  	s0 =	sadd.s32 @!p0 $0x100000, s0  }
0x80: {  	[sflag:s0] =	ssyncadd.tile.s32 @!p0 $0x1;
	_ =	shalt  }
.Lfunc_end2:
_tile_overlayer_lowered:
.L_overlay_start_2:
0x81: {  	(tag) =	ssettag $0x2  }
0x82: {  	s0 =	rddreg [dreg:$0x0];
	s2 =	stileid.u32  }
0x83: {  	s1 =	rddreg [dreg:$0x1];
	p0 =	sne.s32 s2, $0x0  }
0x84: {  	s3 =	rddreg [dreg:$0x2];
	[bflag:$0x3] =	sbarrier.arrive $0xFFFF;
	s2 =	simm.s32 @!p0 $0x1C03  }
0x85: {  	[timem:s3], [sflag:s2] =	dma.local @!p0 [hbm:s0], s1  }
0x86: {  	s0 =	simm.s32 @!p0 $0x3  }
0x87: {  	_ =	swait.ge @!p0 [sflag:s0], s1  }
0x88: {  	s1 =	ssub.s32 @!p0 $0x0, s1;
	[sflag:s0] =	ssyncset.done @!p0 $0x0  }
0x89: {  	[sflag:s0] =	ssyncadd.s32 @!p0 s1  }
0x8a: {  	[bflag:$0x3] =	sbarrier.arrive $0xFFFF  }
0x8b: {  	_ =	shalt  }

// kernel: kernel.8.cloned.1.call-start
scs
__scs_entry_jumppad:
0x0: {  	(pc) =	sbr.rel $0x88, $3  }
0x1: {  	(tag) =	ssettag $0x0;
	lr =	simm.s32 $0x1  }
0x2: {  	[smem:$0x3F99] =	sst lr;
	_ =	strace $0xD0000000  }
0x3: {  	_ = 	snop  }
0x4: {  	_ = 	snop  }
0x5: {  	_ = 	snop  }
0x6: {  	_ = 	snop  }
0x7: {  	_ = 	snop  }
__scs_overlays_trampoline_lowered:
0x8: {  	[smem:$0x3FA8] =	sst s0  }
0x9: {  	[smem:$0x3FA9] =	sst s1  }
0xa: {  	[smem:$0x3FAA] =	sst s2  }
0xb: {  	[smem:$0x3FAB] =	sst s3  }
0xc: {  	[smem:$0x3FAC] =	sst s4  }
0xd: {  	[smem:$0x3FAD] =	sst s5  }
0xe: {  	[smem:$0x3FAE] =	sst s6  }
0xf: {  	[smem:$0x3FAF] =	sst s7  }
0x10: {  	[smem:$0x3FB0] =	sst s8  }
0x11: {  	[smem:$0x3FB1] =	sst s9;
	s0 =	simm.s32 @!p0 $0x0  }
0x12: {  	s1 =	sld [smem:$0x3F97];
	s0 =	simm.s32 @p0 $0x1  }
0x13: {  	[smem:$0x3FB2] =	sst s0;
	s0 =	simm.s32 @!p1 $0x0  }
0x14: {  	s2 =	sld [smem:$0x3F96];
	s0 =	simm.s32 @p1 $0x1  }
0x15: {  	[smem:$0x3FB3] =	sst s0;
	s0 =	simm.s32 @!p2 $0x0  }
0x16: {  	s3 =	sld [smem:$0x3FDB];
	s0 =	simm.s32 @p2 $0x1  }
0x17: {  	s4 =	simm.s32 $0x1BF5;
	[smem:$0x3FB5] =	sst s0  }
0x18: {  	s0 =	sld [smem:$0x3F98];
	_ =	swait.ge [sflag:s4], $0x0  }
0x19: {  	s7 =	sld [smem:$0x3F99]  }
0x1a: {  	s8 =	sadd.s32 $0xFFFFE003, lr  }
0x1b: {  	s9 =	sadd.s32 $0xFFFFFEF7, lr;
	s5 =	simm.s32 $0xFFFFFFFF;
	p2 =	slt.u32 s8, $0xFFFFF086  }
0x1c: {  	p1 =	slt.u32 s9, $0xF7A;
	s5 =	simm.s32 @!p2 $0x0  }
0x1d: {  	s5 =	simm.s32 @p1 $0x1;
	p0 =	seq.s32 s7, s2  }
0x1e: {  	s7 =	smul.u32 @!p0 $0xF7A, s2;
	p2 =	seq.s32 @!p0 s5, $0x0  }
0x1f: {  	s9 =	smul.u32 $0xF7A, s1;
	s8 =	simm.s32 @!p0 $0x1BF5;
	p2 =	por !p2, p0  }
0x20: {  	[sflag:s8] =	ssyncset.s32 @!p0 $0xFFFFF086;
	s6 =	sadd.s32 @!p0 s3, s7;
	s7 =	simm.s32 @!p0 $0x108  }
0x21: {  	s3 =	sadd.s32 s3, s9;
	s6 =	sadd.s32 @!p0 $0x88, s6;
	s7 =	simm.s32 @p2 $0x1082  }
0x22: {  	[simem:s7], [sflag:s8] =	dma.local @!p0 [hbm:s6], $0xF7A  }
0x23: {  	s9 =	sor.u32 $0xD0000000, s2;
	s6 =	simm.s32 $0x108;
	_ =	swait.ge @!p0 [sflag:s8], $0x0  }
0x24: {  	s3 =	sadd.s32 $0x88, s3;
	s6 =	simm.s32 @!p1 $0x1082;
	[sflag:s4] =	ssyncset.s32 $0xFFFFF086  }
0x25: {  	[simem:s6], [sflag:s4] =	dma.local [hbm:s3], $0xF7A  }
0x26: {  	[smem:$0x3F99] =	sst s1;
	(tag) =	ssettag s2;
	_ =	strace s9  }
0x27: {  	s1 =	sld [smem:$0x3FA9]  }
0x28: {  	s2 =	sld [smem:$0x3FAA]  }
0x29: {  	s4 =	sld [smem:$0x3FAC]  }
0x2a: {  	p0 =	seq.s32 s5, $0x0;
	s5 =	sld [smem:$0x3FAD]  }
0x2b: {  	s6 =	sld [smem:$0x3FAE]  }
0x2c: {  	s7 =	sld [smem:$0x3FAF]  }
0x2d: {  	s3 =	simm.s32 $0x108;
	s8 =	sld [smem:$0x3FB0]  }
0x2e: {  	s3 =	simm.s32 @!p0 $0x1082;
	s9 =	sld [smem:$0x3FB1]  }
0x2f: {  	lr =	sadd.s32 s0, s3;
	s0 =	sld [smem:$0x3FA8]  }
0x30: {  	s3 =	sld [smem:$0x3FAB]  }
0x31: {  	[smem:$0x3FB4] =	sst s10  }
0x32: {  	s10 =	sld [smem:$0x3FB2];
	_ =	sdelay $0x3  }
0x33: {  	p0 =	seq.s32 s10, $0x1;
	s10 =	sld [smem:$0x3FB4];
	_ =	sdelay $0x3  }
0x34: {  	[smem:$0x3FB4] =	sst s10  }
0x35: {  	s10 =	sld [smem:$0x3FB3];
	_ =	sdelay $0x3  }
0x36: {  	p1 =	seq.s32 s10, $0x1;
	s10 =	sld [smem:$0x3FB4];
	_ =	sdelay $0x3  }
0x37: {  	[smem:$0x3FB4] =	sst s10  }
0x38: {  	s10 =	sld [smem:$0x3FB5]  }
0x39: {  	_ = 	snop;
	(pc) =	sbr.ind lr, $3  }
0x3a: {  	_ = 	snop  }
0x3b: {  	_ = 	snop  }
0x3c: {  	p2 =	seq.s32 s10, $0x1;
	s10 =	sld [smem:$0x3FB4]  }
0x3d: {  	_ =	shalt  }
0x3e: {  	_ =	shalt  }
0x3f: {  	_ =	shalt  }
0x40: {  	_ =	shalt  }
0x41: {  	_ =	shalt  }
0x42: {  	_ =	shalt  }
0x43: {  	_ =	shalt  }
0x44: {  	_ =	shalt  }
0x45: {  	_ =	shalt  }
0x46: {  	_ =	shalt  }
0x47: {  	_ =	shalt  }
0x48: {  	_ =	shalt  }
0x49: {  	_ =	shalt  }
0x4a: {  	_ =	shalt  }
0x4b: {  	_ =	shalt  }
0x4c: {  	_ =	shalt  }
0x4d: {  	_ =	shalt  }
0x4e: {  	_ =	shalt  }
0x4f: {  	_ =	shalt  }
0x50: {  	_ =	shalt  }
0x51: {  	_ =	shalt  }
0x52: {  	_ =	shalt  }
0x53: {  	_ =	shalt  }
0x54: {  	_ =	shalt  }
0x55: {  	_ =	shalt  }
0x56: {  	_ =	shalt  }
0x57: {  	_ =	shalt  }
0x58: {  	_ =	shalt  }
0x59: {  	_ =	shalt  }
0x5a: {  	_ =	shalt  }
0x5b: {  	_ =	shalt  }
0x5c: {  	_ =	shalt  }
0x5d: {  	_ =	shalt  }
0x5e: {  	_ =	shalt  }
0x5f: {  	_ =	shalt  }
0x60: {  	_ =	shalt  }
0x61: {  	_ =	shalt  }
0x62: {  	_ =	shalt  }
0x63: {  	_ =	shalt  }
0x64: {  	_ =	shalt  }
0x65: {  	_ =	shalt  }
0x66: {  	_ =	shalt  }
0x67: {  	_ =	shalt  }
0x68: {  	_ =	shalt  }
0x69: {  	_ =	shalt  }
0x6a: {  	_ =	shalt  }
0x6b: {  	_ =	shalt  }
0x6c: {  	_ =	shalt  }
0x6d: {  	_ =	shalt  }
0x6e: {  	_ =	shalt  }
0x6f: {  	_ =	shalt  }
0x70: {  	_ =	shalt  }
0x71: {  	_ =	shalt  }
0x72: {  	_ =	shalt  }
0x73: {  	_ =	shalt  }
0x74: {  	_ =	shalt  }
0x75: {  	_ =	shalt  }
0x76: {  	_ =	shalt  }
0x77: {  	_ =	shalt  }
0x78: {  	_ =	shalt  }
0x79: {  	_ =	shalt  }
0x7a: {  	_ =	shalt  }
0x7b: {  	_ =	shalt  }
0x7c: {  	_ =	shalt  }
0x7d: {  	_ =	shalt  }
0x7e: {  	_ =	shalt  }
0x7f: {  	_ =	shalt  }
0x80: {  	_ =	shalt  }
0x81: {  	_ =	shalt  }
0x82: {  	_ =	shalt  }
0x83: {  	_ =	shalt  }
0x84: {  	_ =	shalt  }
0x85: {  	_ =	shalt  }
0x86: {  	_ =	shalt  }
0x87: {  	_ =	shalt  }
.Lfunc_end0:
.L_simem_size_0:
called_computation_lowered:
.L_overlay_start_0:
0x88: {  	s2 =	sld [smem:$0x3FD9]  }
0x89: {  	s3 =	sld [smem:$0x3FFE];
	_ =	sdelay $0x1  }
0x8a: {  	s1 =	srdreg.scid  }
0x8b: {  	s0 =	sand.u32 $0x1, s1  }
0x8c: {  	s17 =	sshll.u32 s0, $0xA;
	s2 =	sadd.s32 s3, s2  }
0x8d: {  	s2 =	sadd.s32 s2, s17  }
0x8e: {  	[smem:$0x3FC0] =	sst s2  }
0x8f: {  	_ = 	snop  }
0x90: {  	s2 =	sld [smem:$0x3FD0];
	(tm) =	ssettm $0x1  }
0x91: {  	s18 =	sld [smem:$0x3FFB];
	_ =	sdelay $0x3  }
0x92: {  	_ =	strace s18  }
0x93: {  	s3 =	sld [smem:$0x3FFC];
	_ =	sdelay $0x3  }
0x94: {  	_ =	strace s3  }
0x95: {  	s3 =	sld [smem:$0x3FFD];
	_ =	sdelay $0x3  }
0x96: {  	_ =	strace s3  }
0x97: {  	_ =	strace $0x8FFFFFFF  }
0x98: {  	s19 =	sld [smem:$0x3FDB];
	_ =	sdelay $0x1  }
0x99: {  	s4 =	simm.s32 $_scs_section_size  }
0x9a: {  	s5 =	simm.s32 $_size__tile_overlayer_lowered;
	s6 =	simm.s32 $_tile_overlayer_lowered  }
0x9b: {  	s22 =	simm.s32 $0x1BFF;
	s21 =	sshll.u32 s6, $0x1;
	s3 =	sadd.s32 s4, s19  }
0x9c: {  	s7 =	simm.s32 $0x0;
	s20 =	sshll.u32 s5, $0x1;
	s5 =	sadd.s32 s21, s3  }
0x9d: {  	[timem:s7], [sflag:s22] =	dma.local [hbm:s5], s20  }
0x9e: {  	_ =	swait.ge [sflag:s22], s20  }
0x9f: {  	s4 =	ssub.s32 $0x0, s20;
	[sflag:s22] =	ssyncset.done $0x0  }
0xa0: {  	[sflag:s22] =	ssyncadd.s32 s4;
	_ =	sdelay $0x1  }
0xa1: {  	s23 =	simm.s32 $0x1B8B  }
0xa2: {  	_ =	swait.ge [sflag:s23], $0x1  }
0xa3: {  	[sflag:s23] =	ssyncset.done $0x0  }
0xa4: {  	s25 =	simm.s32 $0x1B8E;
	s24 =	sld [smem:$0x3FFE];
	[sflag:s23] =	ssyncadd.s32 $0xFFFFFFFF  }
0xa5: {  	s26 =	simm.s32 $execute0_lowered;
	[smem:$0x3FD2] =	sst s25  }
0xa6: {  	s5 =	sshll.u32 s26, $0x1;
	_ =	strace $0x80000046;
	[dreg:$0x1] =	wrdreg $0xFFFFFFFF  }
0xa7: {  	s28 =	simm.s32 $_size_execute0_lowered;
	s3 =	sadd.s32 s3, s5;
	[dreg:$0x0] =	wrdreg $0x0  }
0xa8: {  	s5 =	sshll.u32 s28, $0x1;
	[dreg:$0x2] =	wrdreg s3  }
0xa9: {  	[dreg:$0x3] =	wrdreg s5  }
0xaa: {  	[dreg:$0x4] =	wrdreg $0xC0  }
0xab: {  	_ =	task [dreg:s7], $0x5FFFF  }
0xac: {  	[dreg:$0x1] =	wrdreg $0xFFFFFFFF  }
0xad: {  	[dreg:$0x0] =	wrdreg $0x60  }
0xae: {  	[dreg:$0x2] =	wrdreg s2  }
0xaf: {  	[dreg:$0x3] =	wrdreg s24  }
0xb0: {  	[dreg:$0x4] =	wrdreg $0x57800  }
0xb1: {  	[dreg:$0x5] =	wrdreg $0x9  }
0xb2: {  	_ =	task.clear_ibuf [dreg:s7], $0x6FFFF;
	_ =	strace $0x90000046  }
0xb3: {  	s29 =	simm.s32 $0x9;
	_ =	strace $0x80000048  }
0xb4: {  	_ =	swait.ge [sflag:s29], $0x1  }
0xb5: {  	[sflag:s29] =	ssyncadd.s32 $0xFFFFFFFF  }
0xb6: {  	_ =	strace $0x90000048  }
0xb7: {  	_ =	sfence  }
0xb8: {  	s30 =	sld [smem:$0x0];
	_ =	sdelay $0x2  }
0xb9: {  	s31 =	sshll.u32 s1, $0xD;
	s1 =	sshrl.u32 s1, $0x2  }
0xba: {  	s3 =	sand.u32 $0x4000, s31;
	s1 =	sadd.s32 s1, s30  }
0xbb: {  	s0 =	sor.u32 s3, s0;
	s1 =	sshll.u32 s1, $0x11  }
0xbc: {  	s0 =	sor.u32 s1, s0  }
0xbd: {  	s0 =	sadd.s32 $0x8F2B, s0  }
0xbe: {  	[sflag:s0] =	ssyncadd.remote.s32 $0x1  }
0xbf: {  	_ =	sfence.sel $0xFFFF  }
0xc0: {  	[dreg:$0x0] =	wrdreg $0xFFFFFFFF;
	(pc) =	sbr.abs _section_cstart, $3  }
0xc1: {  	[dreg:$0x1] =	wrdreg $0xFFFFFFFF  }
0xc2: {  	_ =	task.clear_ibuf [dreg:s7], $0x2FFFF;
	_ =	strace $0x9FFFFFFF  }
0xc3: {  	(tm) =	ssettm $0x7FFFFFFF  }
tec
execute0_lowered:
.L_overlay_start_1:
0x0: {  	(tag) =	ssettag $0x1  }
0x1: {  	s7 =	rddreg [dreg:$0x0]  }
0x2: {  	s8 =	rddreg [dreg:$0x1]  }
0x3: {  	s2 =	rddreg [dreg:$0x2]  }
0x4: {  	s0 =	rddreg [dreg:$0x3]  }
0x5: {  	s3 =	simm.s32 $0x0;
	s4 =	srdreg.scid;
	s1 =	stileid.u32  }
0x6: {  	s13 =	simm.s32 $0x2F80;
	s14 =	simm.s32 $0x2710;
	s15 =	simm.s32 $0x80  }
0x7: {  	s16 =	simm.s32 $0x1;
	s19 =	simm.s32 $0x0;
	s9 =	sand.u32 $0x1, s4  }
0x8: {  	s10 =	smul.u32 $0x2800, s1;
	s29 =	sshll.u32 s1, $0x1;
	[smem:$0x7FF] =	sst s3  }
0x9: {  	s4 =	sadd.s32 $0x3A00, s8;
	s6 =	sadd.s32 $0x3C00, s8;
	s17 =	sshll.u32 s1, $0x6  }
0xa: {  	s11 =	smul.u32 $0x28000, s9;
	s5 =	sor.u32 s9, s29;
	_ =	strace $0x80000047  }
0xb: {  	s9 =	ssub.s32 $0x2, s9;
	s17 =	sor.u32 $0x1C02, s17;
	s12 =	smul.u32 $0x2710, s5  }
0xc: {  	s5 =	sadd.s32 $0x3400, s8;
	s30 =	sshrl.u32 s9, $0x1;
	s11 =	sadd.s32 s10, s11  }
0xd: {  	s31 =	ssub.s32 s9, s30;
	s11 =	sshrl.u32 s11, $0x3;
	s12 =	sshrl.u32 s12, $0x3  }
0xe: {  	s11 =	sadd.s32 s11, s8;
	s7 =	sadd.s32 s7, s12;
	s8 =	sadd.s32 s10, s2  }
0xf: {  	s10 =	smax.u32 s31, $0x1;
	s12 =	simm.s32 $0x2;
	s7 =	sadd.s32 $0x9C40, s7  }
0x10: {  	s9 =	sadd.s32 $0x3E00, s11;
	s11 =	simm.s32 $0x2780;
	s18 =	sshrl.u32 s8, $0x3  }
.LBB2_1:
0x11: {  	[tilespmem:s11], [sflag:$0x2] =	stream.linear.gather [hbm4b:s4+s3], $0x800, $0x38;
	[tilespmem:$0x7F80] =	vst v63  }
0x12: {  	_ =	swait.ge [sflag:s12], $0x800  }
0x13: {  	[sflag:s12] =	ssyncset.done $0x0  }
0x14: {  	[sflag:s12] =	ssyncadd.s32 $0xFFFFF800  }
0x15: {  	[tilespmem:s13], [sflag:$0x2] =	stream.linear.gather [hbm4b:s5+s3], $0x2800, $0x38;
	[tilespmem:$0x7F80] =	vst v63  }
0x16: {  	_ =	swait.ge [sflag:s12], $0x2800  }
0x17: {  	[sflag:s12] =	ssyncset.done $0x0  }
0x18: {  	[sflag:s12] =	ssyncadd.s32 $0xFFFFD800  }
0x19: {  	[tilespmem:s3], [sflag:$0x2] =	stream.linear.gather [hbm4b:s7+s3], $0x2710, $0x38;
	[tilespmem:$0x7F80] =	vst v63  }
0x1a: {  	_ =	swait.ge [sflag:s12], $0x2710  }
0x1b: {  	[sflag:s12] =	ssyncset.done $0x0  }
0x1c: {  	[sflag:s12] =	ssyncadd.s32 $0xFFFFD8F0  }
0x1d: {  	[tilespmem:s14], [sflag:$0x2] =	stream.linear.gather [hbm4b:s6+s3], $0x70, $0x38;
	[tilespmem:$0x7F80] =	vst v63  }
0x1e: {  	_ =	swait.ge [sflag:s12], $0x70  }
0x1f: {  	[sflag:s12] =	ssyncset.done $0x0  }
0x20: {  	[sflag:s12] =	ssyncadd.s32 $0xFFFFFF90  }
0x21: {  	[spmem:s8] =	stream.linear.scatter [tilespmem:s13], [sflag:$0x2], $0x2800, $0x38;
	[tilespmem:$0x7F80] =	vst v63  }
0x22: {  	_ =	swait.ge [sflag:s12], $0x2800  }
0x23: {  	[sflag:s12] =	ssyncset.done $0x0  }
0x24: {  	[sflag:s12] =	ssyncadd.s32 $0xFFFFD800  }
0x25: {  	s20 =	simm.s32 $0x0;
	[bflag:$0x0] =	sbarrier.arrive $0xFFFF  }
.LBB2_2:
0x26: {  	p0 =	sne.s32 s20, $0x9C00  }
.Ltmp0:
0x27: {  	_ = 	snop;
	(pc) =	sbr.rel @p0 .LBB2_2-.Ltmp0, $3  }
0x28: {  	_ =	sdelay $0x1  }
0x29: {  	s21 =	sshra.s32 s20, $0x2;
	s20 =	sadd.s32 $0x200, s20  }
0x2a: {  	[spmem:s2] =	stream.indirect.scatter.add.f32 [tilespmem:s11], [sflag:$0x1], $0x10, s21, s15, $0xb8;
	[tilespmem:$0x7F80] =	vst v63  }
0x2b: {  	_ =	swait.ge [sflag:s16], $0x800  }
0x2c: {  	s20 =	simm.s32 $0x4E;
	[sflag:s16] =	ssyncset.done $0x0  }
.LBB2_4:
0x2d: {  	p0 =	sne.s32 s20, $0x1;
	s20 =	sadd.s32 $0xFFFFFFFF, s20;
	[sflag:s16] =	ssyncadd.s32 $0xFFFFF800  }
.Ltmp1:
0x2e: {  	(pc) =	sbr.rel @p0 .LBB2_4-.Ltmp1, $3  }
0x2f: {  	_ =	sdelay $0x1  }
0x30: {  	_ =	swait.ge [sflag:s16], $0x800  }
0x31: {  	[sflag:s16] =	ssyncset.done $0x0  }
0x32: {  	s19 =	sadd.s32 $0x1, s19  }
0x33: {  	[sflag:s16] =	ssyncadd.s32 $0xFFFFF800;
	p0 =	sne.s32 s19, s10  }
.Ltmp2:
0x34: {  	[bflag:$0x0] =	sbarrier.arrive $0xFFFF;
	(pc) =	sbr.rel @p0 .LBB2_1-.Ltmp2, $4  }
0x35: {  	[hbm:s9], [sflag:s17] =	dma.local [spmem:s18], $0x500  }
0x36: {  	_ =	swait.ge [sflag:s12], $0x500  }
0x37: {  	[sflag:s12] =	ssyncset.done $0x0  }
0x38: {  	[sflag:s12] =	ssyncadd.s32 $0xFFFFFB00  }
0x39: {  	_ =	sfence.sel $0x180000  }
0x3a: {  	[bflag:$0x0] =	sbarrier.arrive $0xFFFF  }
0x3b: {  	p0 =	sne.s32 s1, $0x0;
	_ =	strace $0x90000047  }
0x3c: {  	s0 =	sadd.s32 @!p0 $0x100000, s0;
	[bflag:$0x2] =	sbarrier.arrive $0xFFFF  }
0x3d: {  	[sflag:s0] =	ssyncadd.tile.s32 @!p0 $0x1;
	_ =	shalt  }
.Lfunc_end2:
_tile_overlayer_lowered:
.L_overlay_start_2:
0x3e: {  	(tag) =	ssettag $0x2  }
0x3f: {  	s0 =	rddreg [dreg:$0x0];
	s2 =	stileid.u32  }
0x40: {  	s1 =	rddreg [dreg:$0x1];
	p0 =	sne.s32 s2, $0x0  }
0x41: {  	s3 =	rddreg [dreg:$0x2];
	[bflag:$0x3] =	sbarrier.arrive $0xFFFF;
	s2 =	simm.s32 @!p0 $0x1C02  }
0x42: {  	[timem:s3], [sflag:s2] =	dma.local @!p0 [hbm:s0], s1  }
0x43: {  	s0 =	simm.s32 @!p0 $0x2  }
0x44: {  	_ =	swait.ge @!p0 [sflag:s0], s1  }
0x45: {  	s1 =	ssub.s32 @!p0 $0x0, s1;
	[sflag:s0] =	ssyncset.done @!p0 $0x0  }
0x46: {  	[sflag:s0] =	ssyncadd.s32 @!p0 s1  }
0x47: {  	[bflag:$0x3] =	sbarrier.arrive $0xFFFF  }
0x48: {  	_ =	shalt  }

</sc_bundles>
